<compile_context>
chip_gen: v7x
topology: tpu7x:2x2x1
jax: 0.10.2.dev20260603
libtpu: 0.0.44.dev20260713+nightly
codegen_flags: <defaults>
</compile_context>

<pallas_src>
import jax
import jax.numpy as jnp
from jax import lax
from jax.experimental import pallas as pl
from jax.experimental.pallas import tpu as pltpu
from jax.experimental.pallas import tpu_sc as plsc

F = 100000
V = 50000
NC, NS, L = 2, 16, 16
NT = NC * NS
FT = 3136
FT_LAST = F - (NT - 1) * FT
FT_PAD = 3200
NCHUNK = FT_PAD // 128
VP = 50048
ACC_N = 3 * VP
SLC = ACC_N // NS
PSL = VP // NS
PSL_LAST = V - (NS - 1) * PSL
LAG = 1


def _sc_scatter_body(feat_ref, faces_ref, pa_ref, pb_ref,
                     acc, fk, cb0, cb1, cb2, ix0, ix1, ix2, rbuf, sem):
    c = lax.axis_index("c")
    s = lax.axis_index("s")
    t = s * NC + c

    zeros16f = jnp.zeros((L,), jnp.float32)
    zeros16i = jnp.zeros((L,), jnp.int32)

    def _zf(i, carry):
        cb0[pl.ds(i * L, L)] = zeros16f
        cb1[pl.ds(i * L, L)] = zeros16f
        cb2[pl.ds(i * L, L)] = zeros16f
        fk[pl.ds(i * L, L)] = zeros16i
        return carry
    lax.fori_loop(0, FT_PAD // L, _zf, 0)

    acc_base = pl.multiple_of(s * SLC, 8)
    pltpu.sync_copy(cb0.at[pl.ds(0, 3200)], acc.at[pl.ds(acc_base, 3200)])
    pltpu.sync_copy(cb0.at[pl.ds(0, 3200)], acc.at[pl.ds(acc_base + 3200, 3200)])
    pltpu.sync_copy(cb0.at[pl.ds(0, 2984)], acc.at[pl.ds(acc_base + 6400, 2984)])

    fbase = pl.multiple_of(t * FT, 8)

    @pl.when(t < NT - 1)
    def _():
        pltpu.sync_copy(feat_ref.at[pl.ds(fbase, FT)], cb0.at[pl.ds(0, FT)])
        pltpu.sync_copy(feat_ref.at[pl.ds(F + fbase, FT)], cb1.at[pl.ds(0, FT)])
        pltpu.sync_copy(feat_ref.at[pl.ds(2 * F + fbase, FT)], cb2.at[pl.ds(0, FT)])

    @pl.when(t == NT - 1)
    def _():
        pltpu.sync_copy(feat_ref.at[pl.ds(fbase, FT_LAST)], cb0.at[pl.ds(0, FT_LAST)])
        pltpu.sync_copy(feat_ref.at[pl.ds(F + fbase, FT_LAST)], cb1.at[pl.ds(0, FT_LAST)])
        pltpu.sync_copy(feat_ref.at[pl.ds(2 * F + fbase, FT_LAST)],
                        cb2.at[pl.ds(0, FT_LAST)])

    plsc.subcore_barrier()

    def _slot(k, kcarry):
        kbase = pl.multiple_of(k * F + fbase, 8)

        @pl.when(t < NT - 1)
        def _():
            pltpu.sync_copy(faces_ref.at[pl.ds(kbase, FT)],
                            fk.at[pl.ds(0, FT)])

        @pl.when(t == NT - 1)
        def _():
            pltpu.sync_copy(faces_ref.at[pl.ds(kbase, FT_LAST)],
                            fk.at[pl.ds(0, FT_LAST)])

        def _build(m, carry):
            for l in range(8):
                v = fk[pl.ds(128 * m + 16 * l, L)]
                ix0[m, pl.ds(l * L, L)] = v
                ix1[m, pl.ds(l * L, L)] = v + VP
                ix2[m, pl.ds(l * L, L)] = v + 2 * VP
            return carry
        lax.fori_loop(0, NCHUNK, _build, 0)

        def _fire(m, carry):
            vbase = pl.multiple_of(m * 128, 8)
            pltpu.async_copy(cb0.at[pl.ds(vbase, 128)], acc.at[ix0.at[m]], sem,
                             add=True)
            pltpu.async_copy(cb1.at[pl.ds(vbase, 128)], acc.at[ix1.at[m]], sem,
                             add=True)
            pltpu.async_copy(cb2.at[pl.ds(vbase, 128)], acc.at[ix2.at[m]], sem,
                             add=True)

            @pl.when(m >= LAG)
            def _():
                pbase = pl.multiple_of((m - LAG) * 128, 8)
                pltpu.make_async_copy(cb0.at[pl.ds(pbase, 128)],
                                      acc.at[ix0.at[m - LAG]], sem).wait()
                pltpu.make_async_copy(cb1.at[pl.ds(pbase, 128)],
                                      acc.at[ix1.at[m - LAG]], sem).wait()
                pltpu.make_async_copy(cb2.at[pl.ds(pbase, 128)],
                                      acc.at[ix2.at[m - LAG]], sem).wait()
            return carry
        lax.fori_loop(0, NCHUNK, _fire, 0)

        def _drain(m, carry):
            pbase = pl.multiple_of(m * 128, 8)
            pltpu.make_async_copy(cb0.at[pl.ds(pbase, 128)],
                                  acc.at[ix0.at[m]], sem).wait()
            pltpu.make_async_copy(cb1.at[pl.ds(pbase, 128)],
                                  acc.at[ix1.at[m]], sem).wait()
            pltpu.make_async_copy(cb2.at[pl.ds(pbase, 128)],
                                  acc.at[ix2.at[m]], sem).wait()
            return carry
        lax.fori_loop(NCHUNK - LAG, NCHUNK, _drain, 0)
        return kcarry
    lax.fori_loop(0, 3, _slot, 0)

    plsc.subcore_barrier()

    p_ref = [pa_ref, pb_ref]
    for ci, pr in enumerate(p_ref):
        @pl.when(c == ci)
        def _():
            for p in range(3):
                src = pl.multiple_of(p * VP + s * PSL, 8)
                dst = pl.multiple_of(p * V + s * PSL, 8)

                @pl.when(s < NS - 1)
                def _():
                    pltpu.sync_copy(acc.at[pl.ds(src, PSL)], rbuf.at[pl.ds(0, PSL)])
                    pltpu.sync_copy(rbuf.at[pl.ds(0, PSL)], pr.at[pl.ds(dst, PSL)])

                @pl.when(s == NS - 1)
                def _():
                    pltpu.sync_copy(acc.at[pl.ds(src, PSL_LAST)],
                                    rbuf.at[pl.ds(0, PSL_LAST)])
                    pltpu.sync_copy(rbuf.at[pl.ds(0, PSL_LAST)],
                                    pr.at[pl.ds(dst, PSL_LAST)])


_sc_scatter = pl.kernel(
    _sc_scatter_body,
    out_type=(jax.ShapeDtypeStruct((3 * V,), jnp.float32),
              jax.ShapeDtypeStruct((3 * V,), jnp.float32)),
    mesh=plsc.VectorSubcoreMesh(core_axis_name="c", subcore_axis_name="s",
                                num_cores=NC, num_subcores=NS),
    compiler_params=pltpu.CompilerParams(needs_layout_passes=False),
    scratch_types=[
        pltpu.VMEM_SHARED((ACC_N,), jnp.float32),
        pltpu.VMEM((FT_PAD,), jnp.int32),
        pltpu.VMEM((FT_PAD,), jnp.float32),
        pltpu.VMEM((FT_PAD,), jnp.float32),
        pltpu.VMEM((FT_PAD,), jnp.float32),
        pltpu.VMEM((NCHUNK, 128), jnp.int32),
        pltpu.VMEM((NCHUNK, 128), jnp.int32),
        pltpu.VMEM((NCHUNK, 128), jnp.int32),
        pltpu.VMEM((PSL,), jnp.float32),
        pltpu.SemaphoreType.DMA,
    ],
)


def _tc_combine_body(rate_ref, vs_ref, pa_ref, pb_ref, o_ref):
    r = rate_ref[0, 0]
    o_ref[...] = vs_ref[...] + r * (pa_ref[...] + pb_ref[...])


_tc_combine = pl.pallas_call(
    _tc_combine_body,
    out_shape=jax.ShapeDtypeStruct((3 * V,), jnp.float32),
    in_specs=[
        pl.BlockSpec(memory_space=pltpu.SMEM),
        pl.BlockSpec(memory_space=pltpu.VMEM),
        pl.BlockSpec(memory_space=pltpu.VMEM),
        pl.BlockSpec(memory_space=pltpu.VMEM),
    ],
)


def kernel(features, vs, faces, rate):
    assert features.shape == (1, 3, F)
    assert vs.shape == (1, V, 3) and faces.shape == (F, 3)

    feat_flat = features.reshape(3 * F)
    faces_sm = jnp.swapaxes(faces, 0, 1).reshape(3 * F)
    pa, pb = _sc_scatter(feat_flat, faces_sm)

    vs_pl = jnp.swapaxes(vs, 1, 2).reshape(3 * V)
    comb = _tc_combine(jnp.asarray(rate, jnp.float32).reshape(1, 1), vs_pl, pa, pb)
    return jnp.swapaxes(comb.reshape(1, 3, V), 1, 2)

# --- scband reference (transcript-rebuilt; emitter-appended) ---
"""Pipeline reference for scband-mesh-unpool-optimisor-85383949844943 (READ-ONLY COPY).

The authoritative reference and input builder live on the scoring server;
editing this copy changes nothing except your own understanding.
"""

import jax, jax.numpy as jnp
import numpy as np


def setup_inputs(seed: int = 0) -> dict:
    key = jax.random.key(seed)
    k1, k2, k3 = jax.random.split(key, 3)
    B, F, V = 1, 100000, 50000
    features = jax.random.normal(k1, (B, 3, F), dtype=jnp.float32)
    vs = jax.random.normal(k2, (B, V, 3), dtype=jnp.float32)
    faces = jax.random.randint(k3, (F, 3), 0, V, dtype=jnp.int32)
    rate = jnp.float32(0.01)  # stands in for mesh.min_edge_length
    return {"features": features, "vs": vs, "faces": faces, "rate": rate}


def reference(features, vs, faces, rate):
    # x = transpose(features, 1, 2): [B, 3, F] -> [B, F, 3]
    x = jnp.swapaxes(features, 1, 2)
    B = features.shape[0]
    outs = []
    for i in range(B):
        # For each face j and each of its 3 vertices k: _sum[face[k]] += x[i][j]
        flat_idx = faces.reshape(-1)            # [3F]
        vals = jnp.repeat(x[i], 3, axis=0)       # [3F, 3]; each face row repeated 3x
        _sum = jnp.zeros(vs[i].shape, dtype=vs.dtype).at[flat_idx].add(vals)
        # vs[i] += rate * _sum  (slice 0:len(vs) is the full range here)
        outs.append(vs[i] + rate * _sum[0:vs[i].shape[0]])
    return jnp.stack(outs, axis=0)

if __name__ == "__main__":
    import jax
    _d = setup_inputs()
    print(jax.jit(kernel)(*tuple(_d.values())))

</pallas_src>

<mosaic_0001>
#map = affine_map<(d0, d1) -> (0)>
module attributes {stable_mosaic.version = 14 : i64} {
  func.func @_sc_scatter_body(%arg0: i32, %arg1: i32, %arg2: memref<300000xf32, #tpu.memory_space<hbm>>, %arg3: memref<300000xi32, #tpu.memory_space<hbm>>, %arg4: memref<150000xf32, #tpu.memory_space<hbm>>, %arg5: memref<150000xf32, #tpu.memory_space<hbm>>, %arg6: memref<150144xf32, #tpu.memory_space<vmem_shared>>, %arg7: memref<3200xi32, #tpu.memory_space<vmem>>, %arg8: memref<3200xf32, #tpu.memory_space<vmem>>, %arg9: memref<3200xf32, #tpu.memory_space<vmem>>, %arg10: memref<3200xf32, #tpu.memory_space<vmem>>, %arg11: memref<25x128xi32, #tpu.memory_space<vmem>>, %arg12: memref<25x128xi32, #tpu.memory_space<vmem>>, %arg13: memref<25x128xi32, #tpu.memory_space<vmem>>, %arg14: memref<3128xf32, #tpu.memory_space<vmem>>, %arg15: memref<!tpu.dma_semaphore, #tpu.memory_space<semaphore_mem>>) attributes {dimension_semantics = [#tpu.dimension_semantics<core_parallel>, #tpu.dimension_semantics<subcore_parallel>], iteration_bounds = array<i64: 2, 16>, scalar_prefetch = 0 : i64, scratch_operands = 10 : i64, tpu.core_type = #tpu.core_type<sc_vector_subcore>, window_params = [{transform_indices = #map}, {transform_indices = #map}, {transform_indices = #map}, {transform_indices = #map}]} {
    %mul3A = arith.constant 2 : i32
    %mul3A_0 = arith.muli %arg1, %mul3A : i32
    %add3A = arith.addi %mul3A_0, %arg0 : i32
    %broadcast_in_dim3A = arith.constant 0.000000e+00 : f32
    %broadcast_in_dim3A_1 = vector.broadcast %broadcast_in_dim3A : f32 to vector<16xf32>
    %broadcast_in_dim3A_2 = arith.constant 0 : i32
    %broadcast_in_dim3A_3 = vector.broadcast %broadcast_in_dim3A_2 : i32 to vector<16xi32>
    %scan3A = arith.constant 0 : i32
    %scan3A_4 = arith.constant 0 : i32
    %scan3A_5 = arith.constant 200 : i32
    %scan3A_6 = arith.addi %scan3A_4, %scan3A_5 : i32
    %scan3A_7 = arith.constant 1 : i32
    scf.for %scan3A_41 = %scan3A_4 to %scan3A_6 step %scan3A_7  : i32 {
      %mul3A_42 = arith.constant 16 : i32
      %mul3A_43 = arith.muli %scan3A_41, %mul3A_42 : i32
      %swap3A = arith.index_cast %mul3A_43 : i32 to index
      %swap3A_44 = tpu.vector_load %arg8[%swap3A] {strides = array<i32>} : memref<3200xf32, #tpu.memory_space<vmem>>, vector<16xf32>,
      tpu.vector_store %arg8[%swap3A], %broadcast_in_dim3A_1 {strides = array<i32>} : memref<3200xf32, #tpu.memory_space<vmem>>, vector<16xf32>,
      %mul3A_45 = arith.constant 16 : i32
      %mul3A_46 = arith.muli %scan3A_41, %mul3A_45 : i32
      %swap3A_47 = arith.index_cast %mul3A_46 : i32 to index
      %swap3A_48 = tpu.vector_load %arg9[%swap3A_47] {strides = array<i32>} : memref<3200xf32, #tpu.memory_space<vmem>>, vector<16xf32>,
      tpu.vector_store %arg9[%swap3A_47], %broadcast_in_dim3A_1 {strides = array<i32>} : memref<3200xf32, #tpu.memory_space<vmem>>, vector<16xf32>,
      %mul3A_49 = arith.constant 16 : i32
      %mul3A_50 = arith.muli %scan3A_41, %mul3A_49 : i32
      %swap3A_51 = arith.index_cast %mul3A_50 : i32 to index
      %swap3A_52 = tpu.vector_load %arg10[%swap3A_51] {strides = array<i32>} : memref<3200xf32, #tpu.memory_space<vmem>>, vector<16xf32>,
      tpu.vector_store %arg10[%swap3A_51], %broadcast_in_dim3A_1 {strides = array<i32>} : memref<3200xf32, #tpu.memory_space<vmem>>, vector<16xf32>,
      %mul3A_53 = arith.constant 16 : i32
      %mul3A_54 = arith.muli %scan3A_41, %mul3A_53 : i32
      %swap3A_55 = arith.index_cast %mul3A_54 : i32 to index
      %swap3A_56 = tpu.vector_load %arg7[%swap3A_55] {strides = array<i32>} : memref<3200xi32, #tpu.memory_space<vmem>>, vector<16xi32>,
      tpu.vector_store %arg7[%swap3A_55], %broadcast_in_dim3A_3 {strides = array<i32>} : memref<3200xi32, #tpu.memory_space<vmem>>, vector<16xi32>,
    }
    %scan3A_8 = arith.constant 200 : i32
    %mul3A_9 = arith.constant 9384 : i32
    %mul3A_10 = arith.muli %arg1, %mul3A_9 : i32
    %multiple_of3A = tpu.assume_multiple %mul3A_10, 8 : i32
    "tpu.region"() ({
      %run_scoped3A = tpu.sem_alloc : memref<!tpu.dma_semaphore, #tpu.memory_space<semaphore_mem>>
      %dma_start3A = arith.constant 0 : i32
      %dma_start3A_41 = tpu.memref_slice %arg8[%dma_start3A] : memref<3200xf32, #tpu.memory_space<vmem>> -> memref<3200xf32, #tpu.memory_space<vmem>>
      %dma_start3A_42 = tpu.memref_slice %arg6[%multiple_of3A] : memref<150144xf32, #tpu.memory_space<vmem_shared>> -> memref<3200xf32, #tpu.memory_space<vmem_shared>>
      %dma_start3A_43 = tpu.memref_slice %arg6[%multiple_of3A] : memref<150144xf32, #tpu.memory_space<vmem_shared>> -> memref<3200xf32, #tpu.memory_space<vmem_shared>>
      %dma_start3A_44 = arith.constant 0 : i32
      %dma_start3A_45 = tpu.memref_slice %arg8[%dma_start3A_44] : memref<3200xf32, #tpu.memory_space<vmem>> -> memref<3200xf32, #tpu.memory_space<vmem>>
      tpu.enqueue_dma source(%dma_start3A_45 : memref<3200xf32, #tpu.memory_space<vmem>>) target(%dma_start3A_43 : memref<3200xf32, #tpu.memory_space<vmem_shared>>) target_semaphore(%run_scoped3A : memref<!tpu.dma_semaphore, #tpu.memory_space<semaphore_mem>>)
      %dma_wait3A = arith.constant 0 : i32
      %dma_wait3A_46 = tpu.memref_slice %arg8[%dma_wait3A] : memref<3200xf32, #tpu.memory_space<vmem>> -> memref<3200xf32, #tpu.memory_space<vmem>>
      %dma_wait3A_47 = tpu.memref_slice %arg6[%multiple_of3A] : memref<150144xf32, #tpu.memory_space<vmem_shared>> -> memref<3200xf32, #tpu.memory_space<vmem_shared>>
      %dma_wait3A_48 = tpu.memref_slice %arg6[%multiple_of3A] : memref<150144xf32, #tpu.memory_space<vmem_shared>> -> memref<3200xf32, #tpu.memory_space<vmem_shared>>
      %dma_wait3A_49 = arith.constant 0 : i32
      %dma_wait3A_50 = tpu.memref_slice %arg8[%dma_wait3A_49] : memref<3200xf32, #tpu.memory_space<vmem>> -> memref<3200xf32, #tpu.memory_space<vmem>>
      tpu.wait_dma2 semaphore(%run_scoped3A : memref<!tpu.dma_semaphore, #tpu.memory_space<semaphore_mem>>) src(%dma_wait3A_50 : memref<3200xf32, #tpu.memory_space<vmem>>) dst(%dma_wait3A_48 : memref<3200xf32, #tpu.memory_space<vmem_shared>>)
      tpu.yield
    }) : () -> ()
    %add3A_11 = arith.constant 3200 : i32
    %add3A_12 = arith.addi %multiple_of3A, %add3A_11 : i32
    "tpu.region"() ({
      %run_scoped3A = tpu.sem_alloc : memref<!tpu.dma_semaphore, #tpu.memory_space<semaphore_mem>>
      %dma_start3A = arith.constant 0 : i32
      %dma_start3A_41 = tpu.memref_slice %arg8[%dma_start3A] : memref<3200xf32, #tpu.memory_space<vmem>> -> memref<3200xf32, #tpu.memory_space<vmem>>
      %dma_start3A_42 = tpu.memref_slice %arg6[%add3A_12] : memref<150144xf32, #tpu.memory_space<vmem_shared>> -> memref<3200xf32, #tpu.memory_space<vmem_shared>>
      %dma_start3A_43 = tpu.memref_slice %arg6[%add3A_12] : memref<150144xf32, #tpu.memory_space<vmem_shared>> -> memref<3200xf32, #tpu.memory_space<vmem_shared>>
      %dma_start3A_44 = arith.constant 0 : i32
      %dma_start3A_45 = tpu.memref_slice %arg8[%dma_start3A_44] : memref<3200xf32, #tpu.memory_space<vmem>> -> memref<3200xf32, #tpu.memory_space<vmem>>
      tpu.enqueue_dma source(%dma_start3A_45 : memref<3200xf32, #tpu.memory_space<vmem>>) target(%dma_start3A_43 : memref<3200xf32, #tpu.memory_space<vmem_shared>>) target_semaphore(%run_scoped3A : memref<!tpu.dma_semaphore, #tpu.memory_space<semaphore_mem>>)
      %dma_wait3A = arith.constant 0 : i32
      %dma_wait3A_46 = tpu.memref_slice %arg8[%dma_wait3A] : memref<3200xf32, #tpu.memory_space<vmem>> -> memref<3200xf32, #tpu.memory_space<vmem>>
      %dma_wait3A_47 = tpu.memref_slice %arg6[%add3A_12] : memref<150144xf32, #tpu.memory_space<vmem_shared>> -> memref<3200xf32, #tpu.memory_space<vmem_shared>>
      %dma_wait3A_48 = tpu.memref_slice %arg6[%add3A_12] : memref<150144xf32, #tpu.memory_space<vmem_shared>> -> memref<3200xf32, #tpu.memory_space<vmem_shared>>
      %dma_wait3A_49 = arith.constant 0 : i32
      %dma_wait3A_50 = tpu.memref_slice %arg8[%dma_wait3A_49] : memref<3200xf32, #tpu.memory_space<vmem>> -> memref<3200xf32, #tpu.memory_space<vmem>>
      tpu.wait_dma2 semaphore(%run_scoped3A : memref<!tpu.dma_semaphore, #tpu.memory_space<semaphore_mem>>) src(%dma_wait3A_50 : memref<3200xf32, #tpu.memory_space<vmem>>) dst(%dma_wait3A_48 : memref<3200xf32, #tpu.memory_space<vmem_shared>>)
      tpu.yield
    }) : () -> ()
    %add3A_13 = arith.constant 6400 : i32
    %add3A_14 = arith.addi %multiple_of3A, %add3A_13 : i32
    "tpu.region"() ({
      %run_scoped3A = tpu.sem_alloc : memref<!tpu.dma_semaphore, #tpu.memory_space<semaphore_mem>>
      %dma_start3A = arith.constant 0 : i32
      %dma_start3A_41 = tpu.memref_slice %arg8[%dma_start3A] : memref<3200xf32, #tpu.memory_space<vmem>> -> memref<2984xf32, #tpu.memory_space<vmem>>
      %dma_start3A_42 = tpu.memref_slice %arg6[%add3A_14] : memref<150144xf32, #tpu.memory_space<vmem_shared>> -> memref<2984xf32, #tpu.memory_space<vmem_shared>>
      %dma_start3A_43 = tpu.memref_slice %arg6[%add3A_14] : memref<150144xf32, #tpu.memory_space<vmem_shared>> -> memref<2984xf32, #tpu.memory_space<vmem_shared>>
      %dma_start3A_44 = arith.constant 0 : i32
      %dma_start3A_45 = tpu.memref_slice %arg8[%dma_start3A_44] : memref<3200xf32, #tpu.memory_space<vmem>> -> memref<2984xf32, #tpu.memory_space<vmem>>
      tpu.enqueue_dma source(%dma_start3A_45 : memref<2984xf32, #tpu.memory_space<vmem>>) target(%dma_start3A_43 : memref<2984xf32, #tpu.memory_space<vmem_shared>>) target_semaphore(%run_scoped3A : memref<!tpu.dma_semaphore, #tpu.memory_space<semaphore_mem>>)
      %dma_wait3A = arith.constant 0 : i32
      %dma_wait3A_46 = tpu.memref_slice %arg8[%dma_wait3A] : memref<3200xf32, #tpu.memory_space<vmem>> -> memref<2984xf32, #tpu.memory_space<vmem>>
      %dma_wait3A_47 = tpu.memref_slice %arg6[%add3A_14] : memref<150144xf32, #tpu.memory_space<vmem_shared>> -> memref<2984xf32, #tpu.memory_space<vmem_shared>>
      %dma_wait3A_48 = tpu.memref_slice %arg6[%add3A_14] : memref<150144xf32, #tpu.memory_space<vmem_shared>> -> memref<2984xf32, #tpu.memory_space<vmem_shared>>
      %dma_wait3A_49 = arith.constant 0 : i32
      %dma_wait3A_50 = tpu.memref_slice %arg8[%dma_wait3A_49] : memref<3200xf32, #tpu.memory_space<vmem>> -> memref<2984xf32, #tpu.memory_space<vmem>>
      tpu.wait_dma2 semaphore(%run_scoped3A : memref<!tpu.dma_semaphore, #tpu.memory_space<semaphore_mem>>) src(%dma_wait3A_50 : memref<2984xf32, #tpu.memory_space<vmem>>) dst(%dma_wait3A_48 : memref<2984xf32, #tpu.memory_space<vmem_shared>>)
      tpu.yield
    }) : () -> ()
    %mul3A_15 = arith.constant 3136 : i32
    %mul3A_16 = arith.muli %add3A, %mul3A_15 : i32
    %multiple_of3A_17 = tpu.assume_multiple %mul3A_16, 8 : i32
    %lt3A = arith.constant 31 : i32
    %lt3A_18 = arith.cmpi slt, %add3A, %lt3A : i32
    %convert_element_type3A = arith.extui %lt3A_18 : i1 to i32
    %cond3A = arith.constant 0 : i32
    %cond3A_19 = arith.cmpi ne, %convert_element_type3A, %cond3A : i32
    scf.if %cond3A_19 {
      "tpu.region"() ({
        %run_scoped3A = tpu.sem_alloc : memref<!tpu.dma_semaphore, #tpu.memory_space<semaphore_mem>>
        %dma_start3A = arith.constant 0 : i32
        %dma_start3A_45 = tpu.memref_slice %arg8[%dma_start3A] : memref<3200xf32, #tpu.memory_space<vmem>> -> memref<3136xf32, #tpu.memory_space<vmem>>
        %dma_start3A_46 = tpu.memref_slice %arg2[%multiple_of3A_17] : memref<300000xf32, #tpu.memory_space<hbm>> -> memref<3136xf32, #tpu.memory_space<hbm>>
        %dma_start3A_47 = arith.constant 0 : i32
        %dma_start3A_48 = tpu.memref_slice %arg8[%dma_start3A_47] : memref<3200xf32, #tpu.memory_space<vmem>> -> memref<3136xf32, #tpu.memory_space<vmem>>
        %dma_start3A_49 = tpu.memref_slice %arg2[%multiple_of3A_17] : memref<300000xf32, #tpu.memory_space<hbm>> -> memref<3136xf32, #tpu.memory_space<hbm>>
        tpu.enqueue_dma source(%dma_start3A_49 : memref<3136xf32, #tpu.memory_space<hbm>>) target(%dma_start3A_48 : memref<3136xf32, #tpu.memory_space<vmem>>) target_semaphore(%run_scoped3A : memref<!tpu.dma_semaphore, #tpu.memory_space<semaphore_mem>>)
        %dma_wait3A = arith.constant 0 : i32
        %dma_wait3A_50 = tpu.memref_slice %arg8[%dma_wait3A] : memref<3200xf32, #tpu.memory_space<vmem>> -> memref<3136xf32, #tpu.memory_space<vmem>>
        %dma_wait3A_51 = tpu.memref_slice %arg2[%multiple_of3A_17] : memref<300000xf32, #tpu.memory_space<hbm>> -> memref<3136xf32, #tpu.memory_space<hbm>>
        %dma_wait3A_52 = arith.constant 0 : i32
        %dma_wait3A_53 = tpu.memref_slice %arg8[%dma_wait3A_52] : memref<3200xf32, #tpu.memory_space<vmem>> -> memref<3136xf32, #tpu.memory_space<vmem>>
        %dma_wait3A_54 = tpu.memref_slice %arg2[%multiple_of3A_17] : memref<300000xf32, #tpu.memory_space<hbm>> -> memref<3136xf32, #tpu.memory_space<hbm>>
        tpu.wait_dma2 semaphore(%run_scoped3A : memref<!tpu.dma_semaphore, #tpu.memory_space<semaphore_mem>>) src(%dma_wait3A_54 : memref<3136xf32, #tpu.memory_space<hbm>>) dst(%dma_wait3A_53 : memref<3136xf32, #tpu.memory_space<vmem>>)
        tpu.yield
      }) : () -> ()
      %add3A_41 = arith.constant 100000 : i32
      %add3A_42 = arith.addi %add3A_41, %multiple_of3A_17 : i32
      "tpu.region"() ({
        %run_scoped3A = tpu.sem_alloc : memref<!tpu.dma_semaphore, #tpu.memory_space<semaphore_mem>>
        %dma_start3A = arith.constant 0 : i32
        %dma_start3A_45 = tpu.memref_slice %arg9[%dma_start3A] : memref<3200xf32, #tpu.memory_space<vmem>> -> memref<3136xf32, #tpu.memory_space<vmem>>
        %dma_start3A_46 = tpu.memref_slice %arg2[%add3A_42] : memref<300000xf32, #tpu.memory_space<hbm>> -> memref<3136xf32, #tpu.memory_space<hbm>>
        %dma_start3A_47 = arith.constant 0 : i32
        %dma_start3A_48 = tpu.memref_slice %arg9[%dma_start3A_47] : memref<3200xf32, #tpu.memory_space<vmem>> -> memref<3136xf32, #tpu.memory_space<vmem>>
        %dma_start3A_49 = tpu.memref_slice %arg2[%add3A_42] : memref<300000xf32, #tpu.memory_space<hbm>> -> memref<3136xf32, #tpu.memory_space<hbm>>
        tpu.enqueue_dma source(%dma_start3A_49 : memref<3136xf32, #tpu.memory_space<hbm>>) target(%dma_start3A_48 : memref<3136xf32, #tpu.memory_space<vmem>>) target_semaphore(%run_scoped3A : memref<!tpu.dma_semaphore, #tpu.memory_space<semaphore_mem>>)
        %dma_wait3A = arith.constant 0 : i32
        %dma_wait3A_50 = tpu.memref_slice %arg9[%dma_wait3A] : memref<3200xf32, #tpu.memory_space<vmem>> -> memref<3136xf32, #tpu.memory_space<vmem>>
        %dma_wait3A_51 = tpu.memref_slice %arg2[%add3A_42] : memref<300000xf32, #tpu.memory_space<hbm>> -> memref<3136xf32, #tpu.memory_space<hbm>>
        %dma_wait3A_52 = arith.constant 0 : i32
        %dma_wait3A_53 = tpu.memref_slice %arg9[%dma_wait3A_52] : memref<3200xf32, #tpu.memory_space<vmem>> -> memref<3136xf32, #tpu.memory_space<vmem>>
        %dma_wait3A_54 = tpu.memref_slice %arg2[%add3A_42] : memref<300000xf32, #tpu.memory_space<hbm>> -> memref<3136xf32, #tpu.memory_space<hbm>>
        tpu.wait_dma2 semaphore(%run_scoped3A : memref<!tpu.dma_semaphore, #tpu.memory_space<semaphore_mem>>) src(%dma_wait3A_54 : memref<3136xf32, #tpu.memory_space<hbm>>) dst(%dma_wait3A_53 : memref<3136xf32, #tpu.memory_space<vmem>>)
        tpu.yield
      }) : () -> ()
      %add3A_43 = arith.constant 200000 : i32
      %add3A_44 = arith.addi %add3A_43, %multiple_of3A_17 : i32
      "tpu.region"() ({
        %run_scoped3A = tpu.sem_alloc : memref<!tpu.dma_semaphore, #tpu.memory_space<semaphore_mem>>
        %dma_start3A = arith.constant 0 : i32
        %dma_start3A_45 = tpu.memref_slice %arg10[%dma_start3A] : memref<3200xf32, #tpu.memory_space<vmem>> -> memref<3136xf32, #tpu.memory_space<vmem>>
        %dma_start3A_46 = tpu.memref_slice %arg2[%add3A_44] : memref<300000xf32, #tpu.memory_space<hbm>> -> memref<3136xf32, #tpu.memory_space<hbm>>
        %dma_start3A_47 = arith.constant 0 : i32
        %dma_start3A_48 = tpu.memref_slice %arg10[%dma_start3A_47] : memref<3200xf32, #tpu.memory_space<vmem>> -> memref<3136xf32, #tpu.memory_space<vmem>>
        %dma_start3A_49 = tpu.memref_slice %arg2[%add3A_44] : memref<300000xf32, #tpu.memory_space<hbm>> -> memref<3136xf32, #tpu.memory_space<hbm>>
        tpu.enqueue_dma source(%dma_start3A_49 : memref<3136xf32, #tpu.memory_space<hbm>>) target(%dma_start3A_48 : memref<3136xf32, #tpu.memory_space<vmem>>) target_semaphore(%run_scoped3A : memref<!tpu.dma_semaphore, #tpu.memory_space<semaphore_mem>>)
        %dma_wait3A = arith.constant 0 : i32
        %dma_wait3A_50 = tpu.memref_slice %arg10[%dma_wait3A] : memref<3200xf32, #tpu.memory_space<vmem>> -> memref<3136xf32, #tpu.memory_space<vmem>>
        %dma_wait3A_51 = tpu.memref_slice %arg2[%add3A_44] : memref<300000xf32, #tpu.memory_space<hbm>> -> memref<3136xf32, #tpu.memory_space<hbm>>
        %dma_wait3A_52 = arith.constant 0 : i32
        %dma_wait3A_53 = tpu.memref_slice %arg10[%dma_wait3A_52] : memref<3200xf32, #tpu.memory_space<vmem>> -> memref<3136xf32, #tpu.memory_space<vmem>>
        %dma_wait3A_54 = tpu.memref_slice %arg2[%add3A_44] : memref<300000xf32, #tpu.memory_space<hbm>> -> memref<3136xf32, #tpu.memory_space<hbm>>
        tpu.wait_dma2 semaphore(%run_scoped3A : memref<!tpu.dma_semaphore, #tpu.memory_space<semaphore_mem>>) src(%dma_wait3A_54 : memref<3136xf32, #tpu.memory_space<hbm>>) dst(%dma_wait3A_53 : memref<3136xf32, #tpu.memory_space<vmem>>)
        tpu.yield
      }) : () -> ()
    } else {
    }
    %eq3A = arith.constant 31 : i32
    %eq3A_20 = arith.cmpi eq, %add3A, %eq3A : i32
    %convert_element_type3A_21 = arith.extui %eq3A_20 : i1 to i32
    %cond3A_22 = arith.constant 0 : i32
    %cond3A_23 = arith.cmpi ne, %convert_element_type3A_21, %cond3A_22 : i32
    scf.if %cond3A_23 {
      "tpu.region"() ({
        %run_scoped3A = tpu.sem_alloc : memref<!tpu.dma_semaphore, #tpu.memory_space<semaphore_mem>>
        %dma_start3A = arith.constant 0 : i32
        %dma_start3A_45 = tpu.memref_slice %arg8[%dma_start3A] : memref<3200xf32, #tpu.memory_space<vmem>> -> memref<2784xf32, #tpu.memory_space<vmem>>
        %dma_start3A_46 = tpu.memref_slice %arg2[%multiple_of3A_17] : memref<300000xf32, #tpu.memory_space<hbm>> -> memref<2784xf32, #tpu.memory_space<hbm>>
        %dma_start3A_47 = arith.constant 0 : i32
        %dma_start3A_48 = tpu.memref_slice %arg8[%dma_start3A_47] : memref<3200xf32, #tpu.memory_space<vmem>> -> memref<2784xf32, #tpu.memory_space<vmem>>
        %dma_start3A_49 = tpu.memref_slice %arg2[%multiple_of3A_17] : memref<300000xf32, #tpu.memory_space<hbm>> -> memref<2784xf32, #tpu.memory_space<hbm>>
        tpu.enqueue_dma source(%dma_start3A_49 : memref<2784xf32, #tpu.memory_space<hbm>>) target(%dma_start3A_48 : memref<2784xf32, #tpu.memory_space<vmem>>) target_semaphore(%run_scoped3A : memref<!tpu.dma_semaphore, #tpu.memory_space<semaphore_mem>>)
        %dma_wait3A = arith.constant 0 : i32
        %dma_wait3A_50 = tpu.memref_slice %arg8[%dma_wait3A] : memref<3200xf32, #tpu.memory_space<vmem>> -> memref<2784xf32, #tpu.memory_space<vmem>>
        %dma_wait3A_51 = tpu.memref_slice %arg2[%multiple_of3A_17] : memref<300000xf32, #tpu.memory_space<hbm>> -> memref<2784xf32, #tpu.memory_space<hbm>>
        %dma_wait3A_52 = arith.constant 0 : i32
        %dma_wait3A_53 = tpu.memref_slice %arg8[%dma_wait3A_52] : memref<3200xf32, #tpu.memory_space<vmem>> -> memref<2784xf32, #tpu.memory_space<vmem>>
        %dma_wait3A_54 = tpu.memref_slice %arg2[%multiple_of3A_17] : memref<300000xf32, #tpu.memory_space<hbm>> -> memref<2784xf32, #tpu.memory_space<hbm>>
        tpu.wait_dma2 semaphore(%run_scoped3A : memref<!tpu.dma_semaphore, #tpu.memory_space<semaphore_mem>>) src(%dma_wait3A_54 : memref<2784xf32, #tpu.memory_space<hbm>>) dst(%dma_wait3A_53 : memref<2784xf32, #tpu.memory_space<vmem>>)
        tpu.yield
      }) : () -> ()
      %add3A_41 = arith.constant 100000 : i32
      %add3A_42 = arith.addi %add3A_41, %multiple_of3A_17 : i32
      "tpu.region"() ({
        %run_scoped3A = tpu.sem_alloc : memref<!tpu.dma_semaphore, #tpu.memory_space<semaphore_mem>>
        %dma_start3A = arith.constant 0 : i32
        %dma_start3A_45 = tpu.memref_slice %arg9[%dma_start3A] : memref<3200xf32, #tpu.memory_space<vmem>> -> memref<2784xf32, #tpu.memory_space<vmem>>
        %dma_start3A_46 = tpu.memref_slice %arg2[%add3A_42] : memref<300000xf32, #tpu.memory_space<hbm>> -> memref<2784xf32, #tpu.memory_space<hbm>>
        %dma_start3A_47 = arith.constant 0 : i32
        %dma_start3A_48 = tpu.memref_slice %arg9[%dma_start3A_47] : memref<3200xf32, #tpu.memory_space<vmem>> -> memref<2784xf32, #tpu.memory_space<vmem>>
        %dma_start3A_49 = tpu.memref_slice %arg2[%add3A_42] : memref<300000xf32, #tpu.memory_space<hbm>> -> memref<2784xf32, #tpu.memory_space<hbm>>
        tpu.enqueue_dma source(%dma_start3A_49 : memref<2784xf32, #tpu.memory_space<hbm>>) target(%dma_start3A_48 : memref<2784xf32, #tpu.memory_space<vmem>>) target_semaphore(%run_scoped3A : memref<!tpu.dma_semaphore, #tpu.memory_space<semaphore_mem>>)
        %dma_wait3A = arith.constant 0 : i32
        %dma_wait3A_50 = tpu.memref_slice %arg9[%dma_wait3A] : memref<3200xf32, #tpu.memory_space<vmem>> -> memref<2784xf32, #tpu.memory_space<vmem>>
        %dma_wait3A_51 = tpu.memref_slice %arg2[%add3A_42] : memref<300000xf32, #tpu.memory_space<hbm>> -> memref<2784xf32, #tpu.memory_space<hbm>>
        %dma_wait3A_52 = arith.constant 0 : i32
        %dma_wait3A_53 = tpu.memref_slice %arg9[%dma_wait3A_52] : memref<3200xf32, #tpu.memory_space<vmem>> -> memref<2784xf32, #tpu.memory_space<vmem>>
        %dma_wait3A_54 = tpu.memref_slice %arg2[%add3A_42] : memref<300000xf32, #tpu.memory_space<hbm>> -> memref<2784xf32, #tpu.memory_space<hbm>>
        tpu.wait_dma2 semaphore(%run_scoped3A : memref<!tpu.dma_semaphore, #tpu.memory_space<semaphore_mem>>) src(%dma_wait3A_54 : memref<2784xf32, #tpu.memory_space<hbm>>) dst(%dma_wait3A_53 : memref<2784xf32, #tpu.memory_space<vmem>>)
        tpu.yield
      }) : () -> ()
      %add3A_43 = arith.constant 200000 : i32
      %add3A_44 = arith.addi %add3A_43, %multiple_of3A_17 : i32
      "tpu.region"() ({
        %run_scoped3A = tpu.sem_alloc : memref<!tpu.dma_semaphore, #tpu.memory_space<semaphore_mem>>
        %dma_start3A = arith.constant 0 : i32
        %dma_start3A_45 = tpu.memref_slice %arg10[%dma_start3A] : memref<3200xf32, #tpu.memory_space<vmem>> -> memref<2784xf32, #tpu.memory_space<vmem>>
        %dma_start3A_46 = tpu.memref_slice %arg2[%add3A_44] : memref<300000xf32, #tpu.memory_space<hbm>> -> memref<2784xf32, #tpu.memory_space<hbm>>
        %dma_start3A_47 = arith.constant 0 : i32
        %dma_start3A_48 = tpu.memref_slice %arg10[%dma_start3A_47] : memref<3200xf32, #tpu.memory_space<vmem>> -> memref<2784xf32, #tpu.memory_space<vmem>>
        %dma_start3A_49 = tpu.memref_slice %arg2[%add3A_44] : memref<300000xf32, #tpu.memory_space<hbm>> -> memref<2784xf32, #tpu.memory_space<hbm>>
        tpu.enqueue_dma source(%dma_start3A_49 : memref<2784xf32, #tpu.memory_space<hbm>>) target(%dma_start3A_48 : memref<2784xf32, #tpu.memory_space<vmem>>) target_semaphore(%run_scoped3A : memref<!tpu.dma_semaphore, #tpu.memory_space<semaphore_mem>>)
        %dma_wait3A = arith.constant 0 : i32
        %dma_wait3A_50 = tpu.memref_slice %arg10[%dma_wait3A] : memref<3200xf32, #tpu.memory_space<vmem>> -> memref<2784xf32, #tpu.memory_space<vmem>>
        %dma_wait3A_51 = tpu.memref_slice %arg2[%add3A_44] : memref<300000xf32, #tpu.memory_space<hbm>> -> memref<2784xf32, #tpu.memory_space<hbm>>
        %dma_wait3A_52 = arith.constant 0 : i32
        %dma_wait3A_53 = tpu.memref_slice %arg10[%dma_wait3A_52] : memref<3200xf32, #tpu.memory_space<vmem>> -> memref<2784xf32, #tpu.memory_space<vmem>>
        %dma_wait3A_54 = tpu.memref_slice %arg2[%add3A_44] : memref<300000xf32, #tpu.memory_space<hbm>> -> memref<2784xf32, #tpu.memory_space<hbm>>
        tpu.wait_dma2 semaphore(%run_scoped3A : memref<!tpu.dma_semaphore, #tpu.memory_space<semaphore_mem>>) src(%dma_wait3A_54 : memref<2784xf32, #tpu.memory_space<hbm>>) dst(%dma_wait3A_53 : memref<2784xf32, #tpu.memory_space<vmem>>)
        tpu.yield
      }) : () -> ()
    } else {
    }
    %barrier3A = arith.constant 0 : index
    tpu.barrier barrier_id(%barrier3A)
    %scan3A_24 = arith.constant 0 : i32
    %scan3A_25 = arith.constant 0 : i32
    %scan3A_26 = arith.constant 3 : i32
    %scan3A_27 = arith.addi %scan3A_25, %scan3A_26 : i32
    %scan3A_28 = arith.constant 1 : i32
    scf.for %scan3A_41 = %scan3A_25 to %scan3A_27 step %scan3A_28  : i32 {
      %mul3A_42 = arith.constant 100000 : i32
      %mul3A_43 = arith.muli %scan3A_41, %mul3A_42 : i32
      %add3A_44 = arith.addi %mul3A_43, %multiple_of3A_17 : i32
      %multiple_of3A_45 = tpu.assume_multiple %add3A_44, 8 : i32
      %lt3A_46 = arith.constant 31 : i32
      %lt3A_47 = arith.cmpi slt, %add3A, %lt3A_46 : i32
      %convert_element_type3A_48 = arith.extui %lt3A_47 : i1 to i32
      %cond3A_49 = arith.constant 0 : i32
      %cond3A_50 = arith.cmpi ne, %convert_element_type3A_48, %cond3A_49 : i32
      scf.if %cond3A_50 {
        "tpu.region"() ({
          %run_scoped3A = tpu.sem_alloc : memref<!tpu.dma_semaphore, #tpu.memory_space<semaphore_mem>>
          %dma_start3A = arith.constant 0 : i32
          %dma_start3A_91 = tpu.memref_slice %arg7[%dma_start3A] : memref<3200xi32, #tpu.memory_space<vmem>> -> memref<3136xi32, #tpu.memory_space<vmem>>
          %dma_start3A_92 = tpu.memref_slice %arg3[%multiple_of3A_45] : memref<300000xi32, #tpu.memory_space<hbm>> -> memref<3136xi32, #tpu.memory_space<hbm>>
          %dma_start3A_93 = arith.constant 0 : i32
          %dma_start3A_94 = tpu.memref_slice %arg7[%dma_start3A_93] : memref<3200xi32, #tpu.memory_space<vmem>> -> memref<3136xi32, #tpu.memory_space<vmem>>
          %dma_start3A_95 = tpu.memref_slice %arg3[%multiple_of3A_45] : memref<300000xi32, #tpu.memory_space<hbm>> -> memref<3136xi32, #tpu.memory_space<hbm>>
          tpu.enqueue_dma source(%dma_start3A_95 : memref<3136xi32, #tpu.memory_space<hbm>>) target(%dma_start3A_94 : memref<3136xi32, #tpu.memory_space<vmem>>) target_semaphore(%run_scoped3A : memref<!tpu.dma_semaphore, #tpu.memory_space<semaphore_mem>>)
          %dma_wait3A_96 = arith.constant 0 : i32
          %dma_wait3A_97 = tpu.memref_slice %arg7[%dma_wait3A_96] : memref<3200xi32, #tpu.memory_space<vmem>> -> memref<3136xi32, #tpu.memory_space<vmem>>
          %dma_wait3A_98 = tpu.memref_slice %arg3[%multiple_of3A_45] : memref<300000xi32, #tpu.memory_space<hbm>> -> memref<3136xi32, #tpu.memory_space<hbm>>
          %dma_wait3A_99 = arith.constant 0 : i32
          %dma_wait3A_100 = tpu.memref_slice %arg7[%dma_wait3A_99] : memref<3200xi32, #tpu.memory_space<vmem>> -> memref<3136xi32, #tpu.memory_space<vmem>>
          %dma_wait3A_101 = tpu.memref_slice %arg3[%multiple_of3A_45] : memref<300000xi32, #tpu.memory_space<hbm>> -> memref<3136xi32, #tpu.memory_space<hbm>>
          tpu.wait_dma2 semaphore(%run_scoped3A : memref<!tpu.dma_semaphore, #tpu.memory_space<semaphore_mem>>) src(%dma_wait3A_101 : memref<3136xi32, #tpu.memory_space<hbm>>) dst(%dma_wait3A_100 : memref<3136xi32, #tpu.memory_space<vmem>>)
          tpu.yield
        }) : () -> ()
      } else {
      }
      %eq3A_51 = arith.constant 31 : i32
      %eq3A_52 = arith.cmpi eq, %add3A, %eq3A_51 : i32
      %convert_element_type3A_53 = arith.extui %eq3A_52 : i1 to i32
      %cond3A_54 = arith.constant 0 : i32
      %cond3A_55 = arith.cmpi ne, %convert_element_type3A_53, %cond3A_54 : i32
      scf.if %cond3A_55 {
        "tpu.region"() ({
          %run_scoped3A = tpu.sem_alloc : memref<!tpu.dma_semaphore, #tpu.memory_space<semaphore_mem>>
          %dma_start3A = arith.constant 0 : i32
          %dma_start3A_91 = tpu.memref_slice %arg7[%dma_start3A] : memref<3200xi32, #tpu.memory_space<vmem>> -> memref<2784xi32, #tpu.memory_space<vmem>>
          %dma_start3A_92 = tpu.memref_slice %arg3[%multiple_of3A_45] : memref<300000xi32, #tpu.memory_space<hbm>> -> memref<2784xi32, #tpu.memory_space<hbm>>
          %dma_start3A_93 = arith.constant 0 : i32
          %dma_start3A_94 = tpu.memref_slice %arg7[%dma_start3A_93] : memref<3200xi32, #tpu.memory_space<vmem>> -> memref<2784xi32, #tpu.memory_space<vmem>>
          %dma_start3A_95 = tpu.memref_slice %arg3[%multiple_of3A_45] : memref<300000xi32, #tpu.memory_space<hbm>> -> memref<2784xi32, #tpu.memory_space<hbm>>
          tpu.enqueue_dma source(%dma_start3A_95 : memref<2784xi32, #tpu.memory_space<hbm>>) target(%dma_start3A_94 : memref<2784xi32, #tpu.memory_space<vmem>>) target_semaphore(%run_scoped3A : memref<!tpu.dma_semaphore, #tpu.memory_space<semaphore_mem>>)
          %dma_wait3A_96 = arith.constant 0 : i32
          %dma_wait3A_97 = tpu.memref_slice %arg7[%dma_wait3A_96] : memref<3200xi32, #tpu.memory_space<vmem>> -> memref<2784xi32, #tpu.memory_space<vmem>>
          %dma_wait3A_98 = tpu.memref_slice %arg3[%multiple_of3A_45] : memref<300000xi32, #tpu.memory_space<hbm>> -> memref<2784xi32, #tpu.memory_space<hbm>>
          %dma_wait3A_99 = arith.constant 0 : i32
          %dma_wait3A_100 = tpu.memref_slice %arg7[%dma_wait3A_99] : memref<3200xi32, #tpu.memory_space<vmem>> -> memref<2784xi32, #tpu.memory_space<vmem>>
          %dma_wait3A_101 = tpu.memref_slice %arg3[%multiple_of3A_45] : memref<300000xi32, #tpu.memory_space<hbm>> -> memref<2784xi32, #tpu.memory_space<hbm>>
          tpu.wait_dma2 semaphore(%run_scoped3A : memref<!tpu.dma_semaphore, #tpu.memory_space<semaphore_mem>>) src(%dma_wait3A_101 : memref<2784xi32, #tpu.memory_space<hbm>>) dst(%dma_wait3A_100 : memref<2784xi32, #tpu.memory_space<vmem>>)
          tpu.yield
        }) : () -> ()
      } else {
      }
      %scan3A_56 = arith.constant 0 : i32
      %scan3A_57 = arith.constant 0 : i32
      %scan3A_58 = arith.constant 25 : i32
      %scan3A_59 = arith.addi %scan3A_57, %scan3A_58 : i32
      %scan3A_60 = arith.constant 1 : i32
      scf.for %scan3A_91 = %scan3A_57 to %scan3A_59 step %scan3A_60  : i32 {
        %mul3A_92 = arith.constant 128 : i32
        %mul3A_93 = arith.muli %mul3A_92, %scan3A_91 : i32
        %add3A_94 = arith.constant 0 : i32
        %add3A_95 = arith.addi %mul3A_93, %add3A_94 : i32
        %get3A = arith.index_cast %add3A_95 : i32 to index
        %get3A_96 = tpu.vector_load %arg7[%get3A] {strides = array<i32>} : memref<3200xi32, #tpu.memory_space<vmem>>, vector<16xi32>,
        %swap3A = arith.index_cast %scan3A_91 : i32 to index
        %swap3A_97 = arith.constant 0 : index
        %swap3A_98 = tpu.vector_load %arg11[%swap3A, %swap3A_97] {strides = array<i32>} : memref<25x128xi32, #tpu.memory_space<vmem>>, vector<16xi32>,
        tpu.vector_store %arg11[%swap3A, %swap3A_97], %get3A_96 {strides = array<i32>} : memref<25x128xi32, #tpu.memory_space<vmem>>, vector<16xi32>,
        %add3A_99 = arith.constant 50048 : i32
        %add3A_100 = vector.broadcast %add3A_99 : i32 to vector<16xi32>
        %add3A_101 = arith.addi %get3A_96, %add3A_100 : vector<16xi32>
        %swap3A_102 = arith.index_cast %scan3A_91 : i32 to index
        %swap3A_103 = arith.constant 0 : index
        %swap3A_104 = tpu.vector_load %arg12[%swap3A_102, %swap3A_103] {strides = array<i32>} : memref<25x128xi32, #tpu.memory_space<vmem>>, vector<16xi32>,
        tpu.vector_store %arg12[%swap3A_102, %swap3A_103], %add3A_101 {strides = array<i32>} : memref<25x128xi32, #tpu.memory_space<vmem>>, vector<16xi32>,
        %add3A_105 = arith.constant 100096 : i32
        %add3A_106 = vector.broadcast %add3A_105 : i32 to vector<16xi32>
        %add3A_107 = arith.addi %get3A_96, %add3A_106 : vector<16xi32>
        %swap3A_108 = arith.index_cast %scan3A_91 : i32 to index
        %swap3A_109 = arith.constant 0 : index
        %swap3A_110 = tpu.vector_load %arg13[%swap3A_108, %swap3A_109] {strides = array<i32>} : memref<25x128xi32, #tpu.memory_space<vmem>>, vector<16xi32>,
        tpu.vector_store %arg13[%swap3A_108, %swap3A_109], %add3A_107 {strides = array<i32>} : memref<25x128xi32, #tpu.memory_space<vmem>>, vector<16xi32>,
        %mul3A_111 = arith.constant 128 : i32
        %mul3A_112 = arith.muli %mul3A_111, %scan3A_91 : i32
        %add3A_113 = arith.constant 16 : i32
        %add3A_114 = arith.addi %mul3A_112, %add3A_113 : i32
        %get3A_115 = arith.index_cast %add3A_114 : i32 to index
        %get3A_116 = tpu.vector_load %arg7[%get3A_115] {strides = array<i32>} : memref<3200xi32, #tpu.memory_space<vmem>>, vector<16xi32>,
        %swap3A_117 = arith.index_cast %scan3A_91 : i32 to index
        %swap3A_118 = arith.constant 16 : index
        %swap3A_119 = tpu.vector_load %arg11[%swap3A_117, %swap3A_118] {strides = array<i32>} : memref<25x128xi32, #tpu.memory_space<vmem>>, vector<16xi32>,
        tpu.vector_store %arg11[%swap3A_117, %swap3A_118], %get3A_116 {strides = array<i32>} : memref<25x128xi32, #tpu.memory_space<vmem>>, vector<16xi32>,
        %add3A_120 = arith.constant 50048 : i32
        %add3A_121 = vector.broadcast %add3A_120 : i32 to vector<16xi32>
        %add3A_122 = arith.addi %get3A_116, %add3A_121 : vector<16xi32>
        %swap3A_123 = arith.index_cast %scan3A_91 : i32 to index
        %swap3A_124 = arith.constant 16 : index
        %swap3A_125 = tpu.vector_load %arg12[%swap3A_123, %swap3A_124] {strides = array<i32>} : memref<25x128xi32, #tpu.memory_space<vmem>>, vector<16xi32>,
        tpu.vector_store %arg12[%swap3A_123, %swap3A_124], %add3A_122 {strides = array<i32>} : memref<25x128xi32, #tpu.memory_space<vmem>>, vector<16xi32>,
        %add3A_126 = arith.constant 100096 : i32
        %add3A_127 = vector.broadcast %add3A_126 : i32 to vector<16xi32>
        %add3A_128 = arith.addi %get3A_116, %add3A_127 : vector<16xi32>
        %swap3A_129 = arith.index_cast %scan3A_91 : i32 to index
        %swap3A_130 = arith.constant 16 : index
        %swap3A_131 = tpu.vector_load %arg13[%swap3A_129, %swap3A_130] {strides = array<i32>} : memref<25x128xi32, #tpu.memory_space<vmem>>, vector<16xi32>,
        tpu.vector_store %arg13[%swap3A_129, %swap3A_130], %add3A_128 {strides = array<i32>} : memref<25x128xi32, #tpu.memory_space<vmem>>, vector<16xi32>,
        %mul3A_132 = arith.constant 128 : i32
        %mul3A_133 = arith.muli %mul3A_132, %scan3A_91 : i32
        %add3A_134 = arith.constant 32 : i32
        %add3A_135 = arith.addi %mul3A_133, %add3A_134 : i32
        %get3A_136 = arith.index_cast %add3A_135 : i32 to index
        %get3A_137 = tpu.vector_load %arg7[%get3A_136] {strides = array<i32>} : memref<3200xi32, #tpu.memory_space<vmem>>, vector<16xi32>,
        %swap3A_138 = arith.index_cast %scan3A_91 : i32 to index
        %swap3A_139 = arith.constant 32 : index
        %swap3A_140 = tpu.vector_load %arg11[%swap3A_138, %swap3A_139] {strides = array<i32>} : memref<25x128xi32, #tpu.memory_space<vmem>>, vector<16xi32>,
        tpu.vector_store %arg11[%swap3A_138, %swap3A_139], %get3A_137 {strides = array<i32>} : memref<25x128xi32, #tpu.memory_space<vmem>>, vector<16xi32>,
        %add3A_141 = arith.constant 50048 : i32
        %add3A_142 = vector.broadcast %add3A_141 : i32 to vector<16xi32>
        %add3A_143 = arith.addi %get3A_137, %add3A_142 : vector<16xi32>
        %swap3A_144 = arith.index_cast %scan3A_91 : i32 to index
        %swap3A_145 = arith.constant 32 : index
        %swap3A_146 = tpu.vector_load %arg12[%swap3A_144, %swap3A_145] {strides = array<i32>} : memref<25x128xi32, #tpu.memory_space<vmem>>, vector<16xi32>,
        tpu.vector_store %arg12[%swap3A_144, %swap3A_145], %add3A_143 {strides = array<i32>} : memref<25x128xi32, #tpu.memory_space<vmem>>, vector<16xi32>,
        %add3A_147 = arith.constant 100096 : i32
        %add3A_148 = vector.broadcast %add3A_147 : i32 to vector<16xi32>
        %add3A_149 = arith.addi %get3A_137, %add3A_148 : vector<16xi32>
        %swap3A_150 = arith.index_cast %scan3A_91 : i32 to index
        %swap3A_151 = arith.constant 32 : index
        %swap3A_152 = tpu.vector_load %arg13[%swap3A_150, %swap3A_151] {strides = array<i32>} : memref<25x128xi32, #tpu.memory_space<vmem>>, vector<16xi32>,
        tpu.vector_store %arg13[%swap3A_150, %swap3A_151], %add3A_149 {strides = array<i32>} : memref<25x128xi32, #tpu.memory_space<vmem>>, vector<16xi32>,
        %mul3A_153 = arith.constant 128 : i32
        %mul3A_154 = arith.muli %mul3A_153, %scan3A_91 : i32
        %add3A_155 = arith.constant 48 : i32
        %add3A_156 = arith.addi %mul3A_154, %add3A_155 : i32
        %get3A_157 = arith.index_cast %add3A_156 : i32 to index
        %get3A_158 = tpu.vector_load %arg7[%get3A_157] {strides = array<i32>} : memref<3200xi32, #tpu.memory_space<vmem>>, vector<16xi32>,
        %swap3A_159 = arith.index_cast %scan3A_91 : i32 to index
        %swap3A_160 = arith.constant 48 : index
        %swap3A_161 = tpu.vector_load %arg11[%swap3A_159, %swap3A_160] {strides = array<i32>} : memref<25x128xi32, #tpu.memory_space<vmem>>, vector<16xi32>,
        tpu.vector_store %arg11[%swap3A_159, %swap3A_160], %get3A_158 {strides = array<i32>} : memref<25x128xi32, #tpu.memory_space<vmem>>, vector<16xi32>,
        %add3A_162 = arith.constant 50048 : i32
        %add3A_163 = vector.broadcast %add3A_162 : i32 to vector<16xi32>
        %add3A_164 = arith.addi %get3A_158, %add3A_163 : vector<16xi32>
        %swap3A_165 = arith.index_cast %scan3A_91 : i32 to index
        %swap3A_166 = arith.constant 48 : index
        %swap3A_167 = tpu.vector_load %arg12[%swap3A_165, %swap3A_166] {strides = array<i32>} : memref<25x128xi32, #tpu.memory_space<vmem>>, vector<16xi32>,
        tpu.vector_store %arg12[%swap3A_165, %swap3A_166], %add3A_164 {strides = array<i32>} : memref<25x128xi32, #tpu.memory_space<vmem>>, vector<16xi32>,
        %add3A_168 = arith.constant 100096 : i32
        %add3A_169 = vector.broadcast %add3A_168 : i32 to vector<16xi32>
        %add3A_170 = arith.addi %get3A_158, %add3A_169 : vector<16xi32>
        %swap3A_171 = arith.index_cast %scan3A_91 : i32 to index
        %swap3A_172 = arith.constant 48 : index
        %swap3A_173 = tpu.vector_load %arg13[%swap3A_171, %swap3A_172] {strides = array<i32>} : memref<25x128xi32, #tpu.memory_space<vmem>>, vector<16xi32>,
        tpu.vector_store %arg13[%swap3A_171, %swap3A_172], %add3A_170 {strides = array<i32>} : memref<25x128xi32, #tpu.memory_space<vmem>>, vector<16xi32>,
        %mul3A_174 = arith.constant 128 : i32
        %mul3A_175 = arith.muli %mul3A_174, %scan3A_91 : i32
        %add3A_176 = arith.constant 64 : i32
        %add3A_177 = arith.addi %mul3A_175, %add3A_176 : i32
        %get3A_178 = arith.index_cast %add3A_177 : i32 to index
        %get3A_179 = tpu.vector_load %arg7[%get3A_178] {strides = array<i32>} : memref<3200xi32, #tpu.memory_space<vmem>>, vector<16xi32>,
        %swap3A_180 = arith.index_cast %scan3A_91 : i32 to index
        %swap3A_181 = arith.constant 64 : index
        %swap3A_182 = tpu.vector_load %arg11[%swap3A_180, %swap3A_181] {strides = array<i32>} : memref<25x128xi32, #tpu.memory_space<vmem>>, vector<16xi32>,
        tpu.vector_store %arg11[%swap3A_180, %swap3A_181], %get3A_179 {strides = array<i32>} : memref<25x128xi32, #tpu.memory_space<vmem>>, vector<16xi32>,
        %add3A_183 = arith.constant 50048 : i32
        %add3A_184 = vector.broadcast %add3A_183 : i32 to vector<16xi32>
        %add3A_185 = arith.addi %get3A_179, %add3A_184 : vector<16xi32>
        %swap3A_186 = arith.index_cast %scan3A_91 : i32 to index
        %swap3A_187 = arith.constant 64 : index
        %swap3A_188 = tpu.vector_load %arg12[%swap3A_186, %swap3A_187] {strides = array<i32>} : memref<25x128xi32, #tpu.memory_space<vmem>>, vector<16xi32>,
        tpu.vector_store %arg12[%swap3A_186, %swap3A_187], %add3A_185 {strides = array<i32>} : memref<25x128xi32, #tpu.memory_space<vmem>>, vector<16xi32>,
        %add3A_189 = arith.constant 100096 : i32
        %add3A_190 = vector.broadcast %add3A_189 : i32 to vector<16xi32>
        %add3A_191 = arith.addi %get3A_179, %add3A_190 : vector<16xi32>
        %swap3A_192 = arith.index_cast %scan3A_91 : i32 to index
        %swap3A_193 = arith.constant 64 : index
        %swap3A_194 = tpu.vector_load %arg13[%swap3A_192, %swap3A_193] {strides = array<i32>} : memref<25x128xi32, #tpu.memory_space<vmem>>, vector<16xi32>,
        tpu.vector_store %arg13[%swap3A_192, %swap3A_193], %add3A_191 {strides = array<i32>} : memref<25x128xi32, #tpu.memory_space<vmem>>, vector<16xi32>,
        %mul3A_195 = arith.constant 128 : i32
        %mul3A_196 = arith.muli %mul3A_195, %scan3A_91 : i32
        %add3A_197 = arith.constant 80 : i32
        %add3A_198 = arith.addi %mul3A_196, %add3A_197 : i32
        %get3A_199 = arith.index_cast %add3A_198 : i32 to index
        %get3A_200 = tpu.vector_load %arg7[%get3A_199] {strides = array<i32>} : memref<3200xi32, #tpu.memory_space<vmem>>, vector<16xi32>,
        %swap3A_201 = arith.index_cast %scan3A_91 : i32 to index
        %swap3A_202 = arith.constant 80 : index
        %swap3A_203 = tpu.vector_load %arg11[%swap3A_201, %swap3A_202] {strides = array<i32>} : memref<25x128xi32, #tpu.memory_space<vmem>>, vector<16xi32>,
        tpu.vector_store %arg11[%swap3A_201, %swap3A_202], %get3A_200 {strides = array<i32>} : memref<25x128xi32, #tpu.memory_space<vmem>>, vector<16xi32>,
        %add3A_204 = arith.constant 50048 : i32
        %add3A_205 = vector.broadcast %add3A_204 : i32 to vector<16xi32>
        %add3A_206 = arith.addi %get3A_200, %add3A_205 : vector<16xi32>
        %swap3A_207 = arith.index_cast %scan3A_91 : i32 to index
        %swap3A_208 = arith.constant 80 : index
        %swap3A_209 = tpu.vector_load %arg12[%swap3A_207, %swap3A_208] {strides = array<i32>} : memref<25x128xi32, #tpu.memory_space<vmem>>, vector<16xi32>,
        tpu.vector_store %arg12[%swap3A_207, %swap3A_208], %add3A_206 {strides = array<i32>} : memref<25x128xi32, #tpu.memory_space<vmem>>, vector<16xi32>,
        %add3A_210 = arith.constant 100096 : i32
        %add3A_211 = vector.broadcast %add3A_210 : i32 to vector<16xi32>
        %add3A_212 = arith.addi %get3A_200, %add3A_211 : vector<16xi32>
        %swap3A_213 = arith.index_cast %scan3A_91 : i32 to index
        %swap3A_214 = arith.constant 80 : index
        %swap3A_215 = tpu.vector_load %arg13[%swap3A_213, %swap3A_214] {strides = array<i32>} : memref<25x128xi32, #tpu.memory_space<vmem>>, vector<16xi32>,
        tpu.vector_store %arg13[%swap3A_213, %swap3A_214], %add3A_212 {strides = array<i32>} : memref<25x128xi32, #tpu.memory_space<vmem>>, vector<16xi32>,
        %mul3A_216 = arith.constant 128 : i32
        %mul3A_217 = arith.muli %mul3A_216, %scan3A_91 : i32
        %add3A_218 = arith.constant 96 : i32
        %add3A_219 = arith.addi %mul3A_217, %add3A_218 : i32
        %get3A_220 = arith.index_cast %add3A_219 : i32 to index
        %get3A_221 = tpu.vector_load %arg7[%get3A_220] {strides = array<i32>} : memref<3200xi32, #tpu.memory_space<vmem>>, vector<16xi32>,
        %swap3A_222 = arith.index_cast %scan3A_91 : i32 to index
        %swap3A_223 = arith.constant 96 : index
        %swap3A_224 = tpu.vector_load %arg11[%swap3A_222, %swap3A_223] {strides = array<i32>} : memref<25x128xi32, #tpu.memory_space<vmem>>, vector<16xi32>,
        tpu.vector_store %arg11[%swap3A_222, %swap3A_223], %get3A_221 {strides = array<i32>} : memref<25x128xi32, #tpu.memory_space<vmem>>, vector<16xi32>,
        %add3A_225 = arith.constant 50048 : i32
        %add3A_226 = vector.broadcast %add3A_225 : i32 to vector<16xi32>
        %add3A_227 = arith.addi %get3A_221, %add3A_226 : vector<16xi32>
        %swap3A_228 = arith.index_cast %scan3A_91 : i32 to index
        %swap3A_229 = arith.constant 96 : index
        %swap3A_230 = tpu.vector_load %arg12[%swap3A_228, %swap3A_229] {strides = array<i32>} : memref<25x128xi32, #tpu.memory_space<vmem>>, vector<16xi32>,
        tpu.vector_store %arg12[%swap3A_228, %swap3A_229], %add3A_227 {strides = array<i32>} : memref<25x128xi32, #tpu.memory_space<vmem>>, vector<16xi32>,
        %add3A_231 = arith.constant 100096 : i32
        %add3A_232 = vector.broadcast %add3A_231 : i32 to vector<16xi32>
        %add3A_233 = arith.addi %get3A_221, %add3A_232 : vector<16xi32>
        %swap3A_234 = arith.index_cast %scan3A_91 : i32 to index
        %swap3A_235 = arith.constant 96 : index
        %swap3A_236 = tpu.vector_load %arg13[%swap3A_234, %swap3A_235] {strides = array<i32>} : memref<25x128xi32, #tpu.memory_space<vmem>>, vector<16xi32>,
        tpu.vector_store %arg13[%swap3A_234, %swap3A_235], %add3A_233 {strides = array<i32>} : memref<25x128xi32, #tpu.memory_space<vmem>>, vector<16xi32>,
        %mul3A_237 = arith.constant 128 : i32
        %mul3A_238 = arith.muli %mul3A_237, %scan3A_91 : i32
        %add3A_239 = arith.constant 112 : i32
        %add3A_240 = arith.addi %mul3A_238, %add3A_239 : i32
        %get3A_241 = arith.index_cast %add3A_240 : i32 to index
        %get3A_242 = tpu.vector_load %arg7[%get3A_241] {strides = array<i32>} : memref<3200xi32, #tpu.memory_space<vmem>>, vector<16xi32>,
        %swap3A_243 = arith.index_cast %scan3A_91 : i32 to index
        %swap3A_244 = arith.constant 112 : index
        %swap3A_245 = tpu.vector_load %arg11[%swap3A_243, %swap3A_244] {strides = array<i32>} : memref<25x128xi32, #tpu.memory_space<vmem>>, vector<16xi32>,
        tpu.vector_store %arg11[%swap3A_243, %swap3A_244], %get3A_242 {strides = array<i32>} : memref<25x128xi32, #tpu.memory_space<vmem>>, vector<16xi32>,
        %add3A_246 = arith.constant 50048 : i32
        %add3A_247 = vector.broadcast %add3A_246 : i32 to vector<16xi32>
        %add3A_248 = arith.addi %get3A_242, %add3A_247 : vector<16xi32>
        %swap3A_249 = arith.index_cast %scan3A_91 : i32 to index
        %swap3A_250 = arith.constant 112 : index
        %swap3A_251 = tpu.vector_load %arg12[%swap3A_249, %swap3A_250] {strides = array<i32>} : memref<25x128xi32, #tpu.memory_space<vmem>>, vector<16xi32>,
        tpu.vector_store %arg12[%swap3A_249, %swap3A_250], %add3A_248 {strides = array<i32>} : memref<25x128xi32, #tpu.memory_space<vmem>>, vector<16xi32>,
        %add3A_252 = arith.constant 100096 : i32
        %add3A_253 = vector.broadcast %add3A_252 : i32 to vector<16xi32>
        %add3A_254 = arith.addi %get3A_242, %add3A_253 : vector<16xi32>
        %swap3A_255 = arith.index_cast %scan3A_91 : i32 to index
        %swap3A_256 = arith.constant 112 : index
        %swap3A_257 = tpu.vector_load %arg13[%swap3A_255, %swap3A_256] {strides = array<i32>} : memref<25x128xi32, #tpu.memory_space<vmem>>, vector<16xi32>,
        tpu.vector_store %arg13[%swap3A_255, %swap3A_256], %add3A_254 {strides = array<i32>} : memref<25x128xi32, #tpu.memory_space<vmem>>, vector<16xi32>,
      }
      %scan3A_61 = arith.constant 25 : i32
      %scan3A_62 = arith.constant 0 : i32
      %scan3A_63 = arith.constant 0 : i32
      %scan3A_64 = arith.constant 25 : i32
      %scan3A_65 = arith.addi %scan3A_63, %scan3A_64 : i32
      %scan3A_66 = arith.constant 1 : i32
      scf.for %scan3A_91 = %scan3A_63 to %scan3A_65 step %scan3A_66  : i32 {
        %mul3A_92 = arith.constant 128 : i32
        %mul3A_93 = arith.muli %scan3A_91, %mul3A_92 : i32
        %multiple_of3A_94 = tpu.assume_multiple %mul3A_93, 8 : i32
        %dma_start3A = tpu.memref_slice %arg8[%multiple_of3A_94] : memref<3200xf32, #tpu.memory_space<vmem>> -> memref<128xf32, #tpu.memory_space<vmem>>
        %dma_start3A_95 = arith.constant 0 : i32
        %dma_start3A_96 = tpu.memref_slice %arg11[%scan3A_91, %dma_start3A_95] : memref<25x128xi32, #tpu.memory_space<vmem>> -> memref<1x128xi32, #tpu.memory_space<vmem>>
        %dma_start3A_97 = tpu.memref_squeeze %dma_start3A_96 : memref<1x128xi32, #tpu.memory_space<vmem>> -> memref<128xi32, #tpu.memory_space<vmem>>
        %dma_start3A_98 = arith.constant 0 : i32
        %dma_start3A_99 = tpu.memref_slice %arg6[%dma_start3A_98] : memref<150144xf32, #tpu.memory_space<vmem_shared>> -> memref<150144xf32, #tpu.memory_space<vmem_shared>>
        tpu.enqueue_indirect_dma source(%dma_start3A : memref<128xf32, #tpu.memory_space<vmem>>) target(%dma_start3A_99 : memref<150144xf32, #tpu.memory_space<vmem_shared>>) offsets(%dma_start3A_97 : memref<128xi32, #tpu.memory_space<vmem>>) semaphore(%arg15 : memref<!tpu.dma_semaphore, #tpu.memory_space<semaphore_mem>>) {add = true}
        %dma_start3A_100 = tpu.memref_slice %arg9[%multiple_of3A_94] : memref<3200xf32, #tpu.memory_space<vmem>> -> memref<128xf32, #tpu.memory_space<vmem>>
        %dma_start3A_101 = arith.constant 0 : i32
        %dma_start3A_102 = tpu.memref_slice %arg12[%scan3A_91, %dma_start3A_101] : memref<25x128xi32, #tpu.memory_space<vmem>> -> memref<1x128xi32, #tpu.memory_space<vmem>>
        %dma_start3A_103 = tpu.memref_squeeze %dma_start3A_102 : memref<1x128xi32, #tpu.memory_space<vmem>> -> memref<128xi32, #tpu.memory_space<vmem>>
        %dma_start3A_104 = arith.constant 0 : i32
        %dma_start3A_105 = tpu.memref_slice %arg6[%dma_start3A_104] : memref<150144xf32, #tpu.memory_space<vmem_shared>> -> memref<150144xf32, #tpu.memory_space<vmem_shared>>
        tpu.enqueue_indirect_dma source(%dma_start3A_100 : memref<128xf32, #tpu.memory_space<vmem>>) target(%dma_start3A_105 : memref<150144xf32, #tpu.memory_space<vmem_shared>>) offsets(%dma_start3A_103 : memref<128xi32, #tpu.memory_space<vmem>>) semaphore(%arg15 : memref<!tpu.dma_semaphore, #tpu.memory_space<semaphore_mem>>) {add = true}
        %dma_start3A_106 = tpu.memref_slice %arg10[%multiple_of3A_94] : memref<3200xf32, #tpu.memory_space<vmem>> -> memref<128xf32, #tpu.memory_space<vmem>>
        %dma_start3A_107 = arith.constant 0 : i32
        %dma_start3A_108 = tpu.memref_slice %arg13[%scan3A_91, %dma_start3A_107] : memref<25x128xi32, #tpu.memory_space<vmem>> -> memref<1x128xi32, #tpu.memory_space<vmem>>
        %dma_start3A_109 = tpu.memref_squeeze %dma_start3A_108 : memref<1x128xi32, #tpu.memory_space<vmem>> -> memref<128xi32, #tpu.memory_space<vmem>>
        %dma_start3A_110 = arith.constant 0 : i32
        %dma_start3A_111 = tpu.memref_slice %arg6[%dma_start3A_110] : memref<150144xf32, #tpu.memory_space<vmem_shared>> -> memref<150144xf32, #tpu.memory_space<vmem_shared>>
        tpu.enqueue_indirect_dma source(%dma_start3A_106 : memref<128xf32, #tpu.memory_space<vmem>>) target(%dma_start3A_111 : memref<150144xf32, #tpu.memory_space<vmem_shared>>) offsets(%dma_start3A_109 : memref<128xi32, #tpu.memory_space<vmem>>) semaphore(%arg15 : memref<!tpu.dma_semaphore, #tpu.memory_space<semaphore_mem>>) {add = true}
        %ge3A = arith.constant 1 : i32
        %ge3A_112 = arith.cmpi sge, %scan3A_91, %ge3A : i32
        %convert_element_type3A_113 = arith.extui %ge3A_112 : i1 to i32
        %cond3A_114 = arith.constant 0 : i32
        %cond3A_115 = arith.cmpi ne, %convert_element_type3A_113, %cond3A_114 : i32
        scf.if %cond3A_115 {
          %sub3A = arith.constant 1 : i32
          %sub3A_116 = arith.subi %scan3A_91, %sub3A : i32
          %mul3A_117 = arith.constant 128 : i32
          %mul3A_118 = arith.muli %sub3A_116, %mul3A_117 : i32
          %multiple_of3A_119 = tpu.assume_multiple %mul3A_118, 8 : i32
          %sub3A_120 = arith.constant 1 : i32
          %sub3A_121 = arith.subi %scan3A_91, %sub3A_120 : i32
          %dma_wait3A_122 = tpu.memref_slice %arg8[%multiple_of3A_119] : memref<3200xf32, #tpu.memory_space<vmem>> -> memref<128xf32, #tpu.memory_space<vmem>>
          %dma_wait3A_123 = arith.constant 0 : i32
          %dma_wait3A_124 = tpu.memref_slice %arg11[%sub3A_121, %dma_wait3A_123] : memref<25x128xi32, #tpu.memory_space<vmem>> -> memref<1x128xi32, #tpu.memory_space<vmem>>
          %dma_wait3A_125 = tpu.memref_squeeze %dma_wait3A_124 : memref<1x128xi32, #tpu.memory_space<vmem>> -> memref<128xi32, #tpu.memory_space<vmem>>
          %dma_wait3A_126 = arith.constant 0 : i32
          %dma_wait3A_127 = tpu.memref_slice %arg6[%dma_wait3A_126] : memref<150144xf32, #tpu.memory_space<vmem_shared>> -> memref<150144xf32, #tpu.memory_space<vmem_shared>>
          tpu.wait_indirect_dma semaphore(%arg15 : memref<!tpu.dma_semaphore, #tpu.memory_space<semaphore_mem>>) src(%dma_wait3A_122 : memref<128xf32, #tpu.memory_space<vmem>>) dst(%dma_wait3A_127 : memref<150144xf32, #tpu.memory_space<vmem_shared>>)
          %sub3A_128 = arith.constant 1 : i32
          %sub3A_129 = arith.subi %scan3A_91, %sub3A_128 : i32
          %dma_wait3A_130 = tpu.memref_slice %arg9[%multiple_of3A_119] : memref<3200xf32, #tpu.memory_space<vmem>> -> memref<128xf32, #tpu.memory_space<vmem>>
          %dma_wait3A_131 = arith.constant 0 : i32
          %dma_wait3A_132 = tpu.memref_slice %arg12[%sub3A_129, %dma_wait3A_131] : memref<25x128xi32, #tpu.memory_space<vmem>> -> memref<1x128xi32, #tpu.memory_space<vmem>>
          %dma_wait3A_133 = tpu.memref_squeeze %dma_wait3A_132 : memref<1x128xi32, #tpu.memory_space<vmem>> -> memref<128xi32, #tpu.memory_space<vmem>>
          %dma_wait3A_134 = arith.constant 0 : i32
          %dma_wait3A_135 = tpu.memref_slice %arg6[%dma_wait3A_134] : memref<150144xf32, #tpu.memory_space<vmem_shared>> -> memref<150144xf32, #tpu.memory_space<vmem_shared>>
          tpu.wait_indirect_dma semaphore(%arg15 : memref<!tpu.dma_semaphore, #tpu.memory_space<semaphore_mem>>) src(%dma_wait3A_130 : memref<128xf32, #tpu.memory_space<vmem>>) dst(%dma_wait3A_135 : memref<150144xf32, #tpu.memory_space<vmem_shared>>)
          %sub3A_136 = arith.constant 1 : i32
          %sub3A_137 = arith.subi %scan3A_91, %sub3A_136 : i32
          %dma_wait3A_138 = tpu.memref_slice %arg10[%multiple_of3A_119] : memref<3200xf32, #tpu.memory_space<vmem>> -> memref<128xf32, #tpu.memory_space<vmem>>
          %dma_wait3A_139 = arith.constant 0 : i32
          %dma_wait3A_140 = tpu.memref_slice %arg13[%sub3A_137, %dma_wait3A_139] : memref<25x128xi32, #tpu.memory_space<vmem>> -> memref<1x128xi32, #tpu.memory_space<vmem>>
          %dma_wait3A_141 = tpu.memref_squeeze %dma_wait3A_140 : memref<1x128xi32, #tpu.memory_space<vmem>> -> memref<128xi32, #tpu.memory_space<vmem>>
          %dma_wait3A_142 = arith.constant 0 : i32
          %dma_wait3A_143 = tpu.memref_slice %arg6[%dma_wait3A_142] : memref<150144xf32, #tpu.memory_space<vmem_shared>> -> memref<150144xf32, #tpu.memory_space<vmem_shared>>
          tpu.wait_indirect_dma semaphore(%arg15 : memref<!tpu.dma_semaphore, #tpu.memory_space<semaphore_mem>>) src(%dma_wait3A_138 : memref<128xf32, #tpu.memory_space<vmem>>) dst(%dma_wait3A_143 : memref<150144xf32, #tpu.memory_space<vmem_shared>>)
        } else {
        }
      }
      %scan3A_67 = arith.constant 25 : i32
      %scan3A_68 = arith.constant 0 : i32
      %scan3A_69 = arith.constant 24 : i32
      %mul3A_70 = arith.constant 128 : i32
      %mul3A_71 = arith.muli %scan3A_69, %mul3A_70 : i32
      %multiple_of3A_72 = tpu.assume_multiple %mul3A_71, 8 : i32
      %dma_wait3A = tpu.memref_slice %arg8[%multiple_of3A_72] : memref<3200xf32, #tpu.memory_space<vmem>> -> memref<128xf32, #tpu.memory_space<vmem>>
      %dma_wait3A_73 = arith.constant 0 : i32
      %dma_wait3A_74 = tpu.memref_slice %arg11[%scan3A_69, %dma_wait3A_73] : memref<25x128xi32, #tpu.memory_space<vmem>> -> memref<1x128xi32, #tpu.memory_space<vmem>>
      %dma_wait3A_75 = tpu.memref_squeeze %dma_wait3A_74 : memref<1x128xi32, #tpu.memory_space<vmem>> -> memref<128xi32, #tpu.memory_space<vmem>>
      %dma_wait3A_76 = arith.constant 0 : i32
      %dma_wait3A_77 = tpu.memref_slice %arg6[%dma_wait3A_76] : memref<150144xf32, #tpu.memory_space<vmem_shared>> -> memref<150144xf32, #tpu.memory_space<vmem_shared>>
      tpu.wait_indirect_dma semaphore(%arg15 : memref<!tpu.dma_semaphore, #tpu.memory_space<semaphore_mem>>) src(%dma_wait3A : memref<128xf32, #tpu.memory_space<vmem>>) dst(%dma_wait3A_77 : memref<150144xf32, #tpu.memory_space<vmem_shared>>)
      %dma_wait3A_78 = tpu.memref_slice %arg9[%multiple_of3A_72] : memref<3200xf32, #tpu.memory_space<vmem>> -> memref<128xf32, #tpu.memory_space<vmem>>
      %dma_wait3A_79 = arith.constant 0 : i32
      %dma_wait3A_80 = tpu.memref_slice %arg12[%scan3A_69, %dma_wait3A_79] : memref<25x128xi32, #tpu.memory_space<vmem>> -> memref<1x128xi32, #tpu.memory_space<vmem>>
      %dma_wait3A_81 = tpu.memref_squeeze %dma_wait3A_80 : memref<1x128xi32, #tpu.memory_space<vmem>> -> memref<128xi32, #tpu.memory_space<vmem>>
      %dma_wait3A_82 = arith.constant 0 : i32
      %dma_wait3A_83 = tpu.memref_slice %arg6[%dma_wait3A_82] : memref<150144xf32, #tpu.memory_space<vmem_shared>> -> memref<150144xf32, #tpu.memory_space<vmem_shared>>
      tpu.wait_indirect_dma semaphore(%arg15 : memref<!tpu.dma_semaphore, #tpu.memory_space<semaphore_mem>>) src(%dma_wait3A_78 : memref<128xf32, #tpu.memory_space<vmem>>) dst(%dma_wait3A_83 : memref<150144xf32, #tpu.memory_space<vmem_shared>>)
      %dma_wait3A_84 = tpu.memref_slice %arg10[%multiple_of3A_72] : memref<3200xf32, #tpu.memory_space<vmem>> -> memref<128xf32, #tpu.memory_space<vmem>>
      %dma_wait3A_85 = arith.constant 0 : i32
      %dma_wait3A_86 = tpu.memref_slice %arg13[%scan3A_69, %dma_wait3A_85] : memref<25x128xi32, #tpu.memory_space<vmem>> -> memref<1x128xi32, #tpu.memory_space<vmem>>
      %dma_wait3A_87 = tpu.memref_squeeze %dma_wait3A_86 : memref<1x128xi32, #tpu.memory_space<vmem>> -> memref<128xi32, #tpu.memory_space<vmem>>
      %dma_wait3A_88 = arith.constant 0 : i32
      %dma_wait3A_89 = tpu.memref_slice %arg6[%dma_wait3A_88] : memref<150144xf32, #tpu.memory_space<vmem_shared>> -> memref<150144xf32, #tpu.memory_space<vmem_shared>>
      tpu.wait_indirect_dma semaphore(%arg15 : memref<!tpu.dma_semaphore, #tpu.memory_space<semaphore_mem>>) src(%dma_wait3A_84 : memref<128xf32, #tpu.memory_space<vmem>>) dst(%dma_wait3A_89 : memref<150144xf32, #tpu.memory_space<vmem_shared>>)
      %scan3A_90 = arith.constant 1 : i32
    }
    %scan3A_29 = arith.constant 3 : i32
    %barrier3A_30 = arith.constant 0 : index
    tpu.barrier barrier_id(%barrier3A_30)
    %eq3A_31 = arith.constant 0 : i32
    %eq3A_32 = arith.cmpi eq, %arg0, %eq3A_31 : i32
    %convert_element_type3A_33 = arith.extui %eq3A_32 : i1 to i32
    %cond3A_34 = arith.constant 0 : i32
    %cond3A_35 = arith.cmpi ne, %convert_element_type3A_33, %cond3A_34 : i32
    scf.if %cond3A_35 {
      %mul3A_41 = arith.constant 3128 : i32
      %mul3A_42 = arith.muli %arg1, %mul3A_41 : i32
      %add3A_43 = arith.constant 0 : i32
      %add3A_44 = arith.addi %add3A_43, %mul3A_42 : i32
      %multiple_of3A_45 = tpu.assume_multiple %add3A_44, 8 : i32
      %mul3A_46 = arith.constant 3128 : i32
      %mul3A_47 = arith.muli %arg1, %mul3A_46 : i32
      %add3A_48 = arith.constant 0 : i32
      %add3A_49 = arith.addi %add3A_48, %mul3A_47 : i32
      %multiple_of3A_50 = tpu.assume_multiple %add3A_49, 8 : i32
      %lt3A_51 = arith.constant 15 : i32
      %lt3A_52 = arith.cmpi slt, %arg1, %lt3A_51 : i32
      %convert_element_type3A_53 = arith.extui %lt3A_52 : i1 to i32
      %cond3A_54 = arith.constant 0 : i32
      %cond3A_55 = arith.cmpi ne, %convert_element_type3A_53, %cond3A_54 : i32
      scf.if %cond3A_55 {
        "tpu.region"() ({
          %run_scoped3A = tpu.sem_alloc : memref<!tpu.dma_semaphore, #tpu.memory_space<semaphore_mem>>
          %dma_start3A = arith.constant 0 : i32
          %dma_start3A_101 = tpu.memref_slice %arg14[%dma_start3A] : memref<3128xf32, #tpu.memory_space<vmem>> -> memref<3128xf32, #tpu.memory_space<vmem>>
          %dma_start3A_102 = tpu.memref_slice %arg6[%multiple_of3A_45] : memref<150144xf32, #tpu.memory_space<vmem_shared>> -> memref<3128xf32, #tpu.memory_space<vmem_shared>>
          %dma_start3A_103 = arith.constant 0 : i32
          %dma_start3A_104 = tpu.memref_slice %arg14[%dma_start3A_103] : memref<3128xf32, #tpu.memory_space<vmem>> -> memref<3128xf32, #tpu.memory_space<vmem>>
          %dma_start3A_105 = tpu.memref_slice %arg6[%multiple_of3A_45] : memref<150144xf32, #tpu.memory_space<vmem_shared>> -> memref<3128xf32, #tpu.memory_space<vmem_shared>>
          tpu.enqueue_dma source(%dma_start3A_105 : memref<3128xf32, #tpu.memory_space<vmem_shared>>) target(%dma_start3A_104 : memref<3128xf32, #tpu.memory_space<vmem>>) target_semaphore(%run_scoped3A : memref<!tpu.dma_semaphore, #tpu.memory_space<semaphore_mem>>)
          %dma_wait3A = arith.constant 0 : i32
          %dma_wait3A_106 = tpu.memref_slice %arg14[%dma_wait3A] : memref<3128xf32, #tpu.memory_space<vmem>> -> memref<3128xf32, #tpu.memory_space<vmem>>
          %dma_wait3A_107 = tpu.memref_slice %arg6[%multiple_of3A_45] : memref<150144xf32, #tpu.memory_space<vmem_shared>> -> memref<3128xf32, #tpu.memory_space<vmem_shared>>
          %dma_wait3A_108 = arith.constant 0 : i32
          %dma_wait3A_109 = tpu.memref_slice %arg14[%dma_wait3A_108] : memref<3128xf32, #tpu.memory_space<vmem>> -> memref<3128xf32, #tpu.memory_space<vmem>>
          %dma_wait3A_110 = tpu.memref_slice %arg6[%multiple_of3A_45] : memref<150144xf32, #tpu.memory_space<vmem_shared>> -> memref<3128xf32, #tpu.memory_space<vmem_shared>>
          tpu.wait_dma2 semaphore(%run_scoped3A : memref<!tpu.dma_semaphore, #tpu.memory_space<semaphore_mem>>) src(%dma_wait3A_110 : memref<3128xf32, #tpu.memory_space<vmem_shared>>) dst(%dma_wait3A_109 : memref<3128xf32, #tpu.memory_space<vmem>>)
          tpu.yield
        }) : () -> ()
        "tpu.region"() ({
          %run_scoped3A = tpu.sem_alloc : memref<!tpu.dma_semaphore, #tpu.memory_space<semaphore_mem>>
          %dma_start3A = arith.constant 0 : i32
          %dma_start3A_101 = tpu.memref_slice %arg14[%dma_start3A] : memref<3128xf32, #tpu.memory_space<vmem>> -> memref<3128xf32, #tpu.memory_space<vmem>>
          %dma_start3A_102 = tpu.memref_slice %arg4[%multiple_of3A_50] : memref<150000xf32, #tpu.memory_space<hbm>> -> memref<3128xf32, #tpu.memory_space<hbm>>
          %dma_start3A_103 = tpu.memref_slice %arg4[%multiple_of3A_50] : memref<150000xf32, #tpu.memory_space<hbm>> -> memref<3128xf32, #tpu.memory_space<hbm>>
          %dma_start3A_104 = arith.constant 0 : i32
          %dma_start3A_105 = tpu.memref_slice %arg14[%dma_start3A_104] : memref<3128xf32, #tpu.memory_space<vmem>> -> memref<3128xf32, #tpu.memory_space<vmem>>
          tpu.enqueue_dma source(%dma_start3A_105 : memref<3128xf32, #tpu.memory_space<vmem>>) target(%dma_start3A_103 : memref<3128xf32, #tpu.memory_space<hbm>>) target_semaphore(%run_scoped3A : memref<!tpu.dma_semaphore, #tpu.memory_space<semaphore_mem>>)
          %dma_wait3A = arith.constant 0 : i32
          %dma_wait3A_106 = tpu.memref_slice %arg14[%dma_wait3A] : memref<3128xf32, #tpu.memory_space<vmem>> -> memref<3128xf32, #tpu.memory_space<vmem>>
          %dma_wait3A_107 = tpu.memref_slice %arg4[%multiple_of3A_50] : memref<150000xf32, #tpu.memory_space<hbm>> -> memref<3128xf32, #tpu.memory_space<hbm>>
          %dma_wait3A_108 = tpu.memref_slice %arg4[%multiple_of3A_50] : memref<150000xf32, #tpu.memory_space<hbm>> -> memref<3128xf32, #tpu.memory_space<hbm>>
          %dma_wait3A_109 = arith.constant 0 : i32
          %dma_wait3A_110 = tpu.memref_slice %arg14[%dma_wait3A_109] : memref<3128xf32, #tpu.memory_space<vmem>> -> memref<3128xf32, #tpu.memory_space<vmem>>
          tpu.wait_dma2 semaphore(%run_scoped3A : memref<!tpu.dma_semaphore, #tpu.memory_space<semaphore_mem>>) src(%dma_wait3A_110 : memref<3128xf32, #tpu.memory_space<vmem>>) dst(%dma_wait3A_108 : memref<3128xf32, #tpu.memory_space<hbm>>)
          tpu.yield
        }) : () -> ()
      } else {
      }
      %eq3A_56 = arith.constant 15 : i32
      %eq3A_57 = arith.cmpi eq, %arg1, %eq3A_56 : i32
      %convert_element_type3A_58 = arith.extui %eq3A_57 : i1 to i32
      %cond3A_59 = arith.constant 0 : i32
      %cond3A_60 = arith.cmpi ne, %convert_element_type3A_58, %cond3A_59 : i32
      scf.if %cond3A_60 {
        "tpu.region"() ({
          %run_scoped3A = tpu.sem_alloc : memref<!tpu.dma_semaphore, #tpu.memory_space<semaphore_mem>>
          %dma_start3A = arith.constant 0 : i32
          %dma_start3A_101 = tpu.memref_slice %arg14[%dma_start3A] : memref<3128xf32, #tpu.memory_space<vmem>> -> memref<3080xf32, #tpu.memory_space<vmem>>
          %dma_start3A_102 = tpu.memref_slice %arg6[%multiple_of3A_45] : memref<150144xf32, #tpu.memory_space<vmem_shared>> -> memref<3080xf32, #tpu.memory_space<vmem_shared>>
          %dma_start3A_103 = arith.constant 0 : i32
          %dma_start3A_104 = tpu.memref_slice %arg14[%dma_start3A_103] : memref<3128xf32, #tpu.memory_space<vmem>> -> memref<3080xf32, #tpu.memory_space<vmem>>
          %dma_start3A_105 = tpu.memref_slice %arg6[%multiple_of3A_45] : memref<150144xf32, #tpu.memory_space<vmem_shared>> -> memref<3080xf32, #tpu.memory_space<vmem_shared>>
          tpu.enqueue_dma source(%dma_start3A_105 : memref<3080xf32, #tpu.memory_space<vmem_shared>>) target(%dma_start3A_104 : memref<3080xf32, #tpu.memory_space<vmem>>) target_semaphore(%run_scoped3A : memref<!tpu.dma_semaphore, #tpu.memory_space<semaphore_mem>>)
          %dma_wait3A = arith.constant 0 : i32
          %dma_wait3A_106 = tpu.memref_slice %arg14[%dma_wait3A] : memref<3128xf32, #tpu.memory_space<vmem>> -> memref<3080xf32, #tpu.memory_space<vmem>>
          %dma_wait3A_107 = tpu.memref_slice %arg6[%multiple_of3A_45] : memref<150144xf32, #tpu.memory_space<vmem_shared>> -> memref<3080xf32, #tpu.memory_space<vmem_shared>>
          %dma_wait3A_108 = arith.constant 0 : i32
          %dma_wait3A_109 = tpu.memref_slice %arg14[%dma_wait3A_108] : memref<3128xf32, #tpu.memory_space<vmem>> -> memref<3080xf32, #tpu.memory_space<vmem>>
          %dma_wait3A_110 = tpu.memref_slice %arg6[%multiple_of3A_45] : memref<150144xf32, #tpu.memory_space<vmem_shared>> -> memref<3080xf32, #tpu.memory_space<vmem_shared>>
          tpu.wait_dma2 semaphore(%run_scoped3A : memref<!tpu.dma_semaphore, #tpu.memory_space<semaphore_mem>>) src(%dma_wait3A_110 : memref<3080xf32, #tpu.memory_space<vmem_shared>>) dst(%dma_wait3A_109 : memref<3080xf32, #tpu.memory_space<vmem>>)
          tpu.yield
        }) : () -> ()
        "tpu.region"() ({
          %run_scoped3A = tpu.sem_alloc : memref<!tpu.dma_semaphore, #tpu.memory_space<semaphore_mem>>
          %dma_start3A = arith.constant 0 : i32
          %dma_start3A_101 = tpu.memref_slice %arg14[%dma_start3A] : memref<3128xf32, #tpu.memory_space<vmem>> -> memref<3080xf32, #tpu.memory_space<vmem>>
          %dma_start3A_102 = tpu.memref_slice %arg4[%multiple_of3A_50] : memref<150000xf32, #tpu.memory_space<hbm>> -> memref<3080xf32, #tpu.memory_space<hbm>>
          %dma_start3A_103 = tpu.memref_slice %arg4[%multiple_of3A_50] : memref<150000xf32, #tpu.memory_space<hbm>> -> memref<3080xf32, #tpu.memory_space<hbm>>
          %dma_start3A_104 = arith.constant 0 : i32
          %dma_start3A_105 = tpu.memref_slice %arg14[%dma_start3A_104] : memref<3128xf32, #tpu.memory_space<vmem>> -> memref<3080xf32, #tpu.memory_space<vmem>>
          tpu.enqueue_dma source(%dma_start3A_105 : memref<3080xf32, #tpu.memory_space<vmem>>) target(%dma_start3A_103 : memref<3080xf32, #tpu.memory_space<hbm>>) target_semaphore(%run_scoped3A : memref<!tpu.dma_semaphore, #tpu.memory_space<semaphore_mem>>)
          %dma_wait3A = arith.constant 0 : i32
          %dma_wait3A_106 = tpu.memref_slice %arg14[%dma_wait3A] : memref<3128xf32, #tpu.memory_space<vmem>> -> memref<3080xf32, #tpu.memory_space<vmem>>
          %dma_wait3A_107 = tpu.memref_slice %arg4[%multiple_of3A_50] : memref<150000xf32, #tpu.memory_space<hbm>> -> memref<3080xf32, #tpu.memory_space<hbm>>
          %dma_wait3A_108 = tpu.memref_slice %arg4[%multiple_of3A_50] : memref<150000xf32, #tpu.memory_space<hbm>> -> memref<3080xf32, #tpu.memory_space<hbm>>
          %dma_wait3A_109 = arith.constant 0 : i32
          %dma_wait3A_110 = tpu.memref_slice %arg14[%dma_wait3A_109] : memref<3128xf32, #tpu.memory_space<vmem>> -> memref<3080xf32, #tpu.memory_space<vmem>>
          tpu.wait_dma2 semaphore(%run_scoped3A : memref<!tpu.dma_semaphore, #tpu.memory_space<semaphore_mem>>) src(%dma_wait3A_110 : memref<3080xf32, #tpu.memory_space<vmem>>) dst(%dma_wait3A_108 : memref<3080xf32, #tpu.memory_space<hbm>>)
          tpu.yield
        }) : () -> ()
      } else {
      }
      %mul3A_61 = arith.constant 3128 : i32
      %mul3A_62 = arith.muli %arg1, %mul3A_61 : i32
      %add3A_63 = arith.constant 50048 : i32
      %add3A_64 = arith.addi %add3A_63, %mul3A_62 : i32
      %multiple_of3A_65 = tpu.assume_multiple %add3A_64, 8 : i32
      %mul3A_66 = arith.constant 3128 : i32
      %mul3A_67 = arith.muli %arg1, %mul3A_66 : i32
      %add3A_68 = arith.constant 50000 : i32
      %add3A_69 = arith.addi %add3A_68, %mul3A_67 : i32
      %multiple_of3A_70 = tpu.assume_multiple %add3A_69, 8 : i32
      %lt3A_71 = arith.constant 15 : i32
      %lt3A_72 = arith.cmpi slt, %arg1, %lt3A_71 : i32
      %convert_element_type3A_73 = arith.extui %lt3A_72 : i1 to i32
      %cond3A_74 = arith.constant 0 : i32
      %cond3A_75 = arith.cmpi ne, %convert_element_type3A_73, %cond3A_74 : i32
      scf.if %cond3A_75 {
        "tpu.region"() ({
          %run_scoped3A = tpu.sem_alloc : memref<!tpu.dma_semaphore, #tpu.memory_space<semaphore_mem>>
          %dma_start3A = arith.constant 0 : i32
          %dma_start3A_101 = tpu.memref_slice %arg14[%dma_start3A] : memref<3128xf32, #tpu.memory_space<vmem>> -> memref<3128xf32, #tpu.memory_space<vmem>>
          %dma_start3A_102 = tpu.memref_slice %arg6[%multiple_of3A_65] : memref<150144xf32, #tpu.memory_space<vmem_shared>> -> memref<3128xf32, #tpu.memory_space<vmem_shared>>
          %dma_start3A_103 = arith.constant 0 : i32
          %dma_start3A_104 = tpu.memref_slice %arg14[%dma_start3A_103] : memref<3128xf32, #tpu.memory_space<vmem>> -> memref<3128xf32, #tpu.memory_space<vmem>>
          %dma_start3A_105 = tpu.memref_slice %arg6[%multiple_of3A_65] : memref<150144xf32, #tpu.memory_space<vmem_shared>> -> memref<3128xf32, #tpu.memory_space<vmem_shared>>
          tpu.enqueue_dma source(%dma_start3A_105 : memref<3128xf32, #tpu.memory_space<vmem_shared>>) target(%dma_start3A_104 : memref<3128xf32, #tpu.memory_space<vmem>>) target_semaphore(%run_scoped3A : memref<!tpu.dma_semaphore, #tpu.memory_space<semaphore_mem>>)
          %dma_wait3A = arith.constant 0 : i32
          %dma_wait3A_106 = tpu.memref_slice %arg14[%dma_wait3A] : memref<3128xf32, #tpu.memory_space<vmem>> -> memref<3128xf32, #tpu.memory_space<vmem>>
          %dma_wait3A_107 = tpu.memref_slice %arg6[%multiple_of3A_65] : memref<150144xf32, #tpu.memory_space<vmem_shared>> -> memref<3128xf32, #tpu.memory_space<vmem_shared>>
          %dma_wait3A_108 = arith.constant 0 : i32
          %dma_wait3A_109 = tpu.memref_slice %arg14[%dma_wait3A_108] : memref<3128xf32, #tpu.memory_space<vmem>> -> memref<3128xf32, #tpu.memory_space<vmem>>
          %dma_wait3A_110 = tpu.memref_slice %arg6[%multiple_of3A_65] : memref<150144xf32, #tpu.memory_space<vmem_shared>> -> memref<3128xf32, #tpu.memory_space<vmem_shared>>
          tpu.wait_dma2 semaphore(%run_scoped3A : memref<!tpu.dma_semaphore, #tpu.memory_space<semaphore_mem>>) src(%dma_wait3A_110 : memref<3128xf32, #tpu.memory_space<vmem_shared>>) dst(%dma_wait3A_109 : memref<3128xf32, #tpu.memory_space<vmem>>)
          tpu.yield
        }) : () -> ()
        "tpu.region"() ({
          %run_scoped3A = tpu.sem_alloc : memref<!tpu.dma_semaphore, #tpu.memory_space<semaphore_mem>>
          %dma_start3A = arith.constant 0 : i32
          %dma_start3A_101 = tpu.memref_slice %arg14[%dma_start3A] : memref<3128xf32, #tpu.memory_space<vmem>> -> memref<3128xf32, #tpu.memory_space<vmem>>
          %dma_start3A_102 = tpu.memref_slice %arg4[%multiple_of3A_70] : memref<150000xf32, #tpu.memory_space<hbm>> -> memref<3128xf32, #tpu.memory_space<hbm>>
          %dma_start3A_103 = tpu.memref_slice %arg4[%multiple_of3A_70] : memref<150000xf32, #tpu.memory_space<hbm>> -> memref<3128xf32, #tpu.memory_space<hbm>>
          %dma_start3A_104 = arith.constant 0 : i32
          %dma_start3A_105 = tpu.memref_slice %arg14[%dma_start3A_104] : memref<3128xf32, #tpu.memory_space<vmem>> -> memref<3128xf32, #tpu.memory_space<vmem>>
          tpu.enqueue_dma source(%dma_start3A_105 : memref<3128xf32, #tpu.memory_space<vmem>>) target(%dma_start3A_103 : memref<3128xf32, #tpu.memory_space<hbm>>) target_semaphore(%run_scoped3A : memref<!tpu.dma_semaphore, #tpu.memory_space<semaphore_mem>>)
          %dma_wait3A = arith.constant 0 : i32
          %dma_wait3A_106 = tpu.memref_slice %arg14[%dma_wait3A] : memref<3128xf32, #tpu.memory_space<vmem>> -> memref<3128xf32, #tpu.memory_space<vmem>>
          %dma_wait3A_107 = tpu.memref_slice %arg4[%multiple_of3A_70] : memref<150000xf32, #tpu.memory_space<hbm>> -> memref<3128xf32, #tpu.memory_space<hbm>>
          %dma_wait3A_108 = tpu.memref_slice %arg4[%multiple_of3A_70] : memref<150000xf32, #tpu.memory_space<hbm>> -> memref<3128xf32, #tpu.memory_space<hbm>>
          %dma_wait3A_109 = arith.constant 0 : i32
          %dma_wait3A_110 = tpu.memref_slice %arg14[%dma_wait3A_109] : memref<3128xf32, #tpu.memory_space<vmem>> -> memref<3128xf32, #tpu.memory_space<vmem>>
          tpu.wait_dma2 semaphore(%run_scoped3A : memref<!tpu.dma_semaphore, #tpu.memory_space<semaphore_mem>>) src(%dma_wait3A_110 : memref<3128xf32, #tpu.memory_space<vmem>>) dst(%dma_wait3A_108 : memref<3128xf32, #tpu.memory_space<hbm>>)
          tpu.yield
        }) : () -> ()
      } else {
      }
      %eq3A_76 = arith.constant 15 : i32
      %eq3A_77 = arith.cmpi eq, %arg1, %eq3A_76 : i32
      %convert_element_type3A_78 = arith.extui %eq3A_77 : i1 to i32
      %cond3A_79 = arith.constant 0 : i32
      %cond3A_80 = arith.cmpi ne, %convert_element_type3A_78, %cond3A_79 : i32
      scf.if %cond3A_80 {
        "tpu.region"() ({
          %run_scoped3A = tpu.sem_alloc : memref<!tpu.dma_semaphore, #tpu.memory_space<semaphore_mem>>
          %dma_start3A = arith.constant 0 : i32
          %dma_start3A_101 = tpu.memref_slice %arg14[%dma_start3A] : memref<3128xf32, #tpu.memory_space<vmem>> -> memref<3080xf32, #tpu.memory_space<vmem>>
          %dma_start3A_102 = tpu.memref_slice %arg6[%multiple_of3A_65] : memref<150144xf32, #tpu.memory_space<vmem_shared>> -> memref<3080xf32, #tpu.memory_space<vmem_shared>>
          %dma_start3A_103 = arith.constant 0 : i32
          %dma_start3A_104 = tpu.memref_slice %arg14[%dma_start3A_103] : memref<3128xf32, #tpu.memory_space<vmem>> -> memref<3080xf32, #tpu.memory_space<vmem>>
          %dma_start3A_105 = tpu.memref_slice %arg6[%multiple_of3A_65] : memref<150144xf32, #tpu.memory_space<vmem_shared>> -> memref<3080xf32, #tpu.memory_space<vmem_shared>>
          tpu.enqueue_dma source(%dma_start3A_105 : memref<3080xf32, #tpu.memory_space<vmem_shared>>) target(%dma_start3A_104 : memref<3080xf32, #tpu.memory_space<vmem>>) target_semaphore(%run_scoped3A : memref<!tpu.dma_semaphore, #tpu.memory_space<semaphore_mem>>)
          %dma_wait3A = arith.constant 0 : i32
          %dma_wait3A_106 = tpu.memref_slice %arg14[%dma_wait3A] : memref<3128xf32, #tpu.memory_space<vmem>> -> memref<3080xf32, #tpu.memory_space<vmem>>
          %dma_wait3A_107 = tpu.memref_slice %arg6[%multiple_of3A_65] : memref<150144xf32, #tpu.memory_space<vmem_shared>> -> memref<3080xf32, #tpu.memory_space<vmem_shared>>
          %dma_wait3A_108 = arith.constant 0 : i32
          %dma_wait3A_109 = tpu.memref_slice %arg14[%dma_wait3A_108] : memref<3128xf32, #tpu.memory_space<vmem>> -> memref<3080xf32, #tpu.memory_space<vmem>>
          %dma_wait3A_110 = tpu.memref_slice %arg6[%multiple_of3A_65] : memref<150144xf32, #tpu.memory_space<vmem_shared>> -> memref<3080xf32, #tpu.memory_space<vmem_shared>>
          tpu.wait_dma2 semaphore(%run_scoped3A : memref<!tpu.dma_semaphore, #tpu.memory_space<semaphore_mem>>) src(%dma_wait3A_110 : memref<3080xf32, #tpu.memory_space<vmem_shared>>) dst(%dma_wait3A_109 : memref<3080xf32, #tpu.memory_space<vmem>>)
          tpu.yield
        }) : () -> ()
        "tpu.region"() ({
          %run_scoped3A = tpu.sem_alloc : memref<!tpu.dma_semaphore, #tpu.memory_space<semaphore_mem>>
          %dma_start3A = arith.constant 0 : i32
          %dma_start3A_101 = tpu.memref_slice %arg14[%dma_start3A] : memref<3128xf32, #tpu.memory_space<vmem>> -> memref<3080xf32, #tpu.memory_space<vmem>>
          %dma_start3A_102 = tpu.memref_slice %arg4[%multiple_of3A_70] : memref<150000xf32, #tpu.memory_space<hbm>> -> memref<3080xf32, #tpu.memory_space<hbm>>
          %dma_start3A_103 = tpu.memref_slice %arg4[%multiple_of3A_70] : memref<150000xf32, #tpu.memory_space<hbm>> -> memref<3080xf32, #tpu.memory_space<hbm>>
          %dma_start3A_104 = arith.constant 0 : i32
          %dma_start3A_105 = tpu.memref_slice %arg14[%dma_start3A_104] : memref<3128xf32, #tpu.memory_space<vmem>> -> memref<3080xf32, #tpu.memory_space<vmem>>
          tpu.enqueue_dma source(%dma_start3A_105 : memref<3080xf32, #tpu.memory_space<vmem>>) target(%dma_start3A_103 : memref<3080xf32, #tpu.memory_space<hbm>>) target_semaphore(%run_scoped3A : memref<!tpu.dma_semaphore, #tpu.memory_space<semaphore_mem>>)
          %dma_wait3A = arith.constant 0 : i32
          %dma_wait3A_106 = tpu.memref_slice %arg14[%dma_wait3A] : memref<3128xf32, #tpu.memory_space<vmem>> -> memref<3080xf32, #tpu.memory_space<vmem>>
          %dma_wait3A_107 = tpu.memref_slice %arg4[%multiple_of3A_70] : memref<150000xf32, #tpu.memory_space<hbm>> -> memref<3080xf32, #tpu.memory_space<hbm>>
          %dma_wait3A_108 = tpu.memref_slice %arg4[%multiple_of3A_70] : memref<150000xf32, #tpu.memory_space<hbm>> -> memref<3080xf32, #tpu.memory_space<hbm>>
          %dma_wait3A_109 = arith.constant 0 : i32
          %dma_wait3A_110 = tpu.memref_slice %arg14[%dma_wait3A_109] : memref<3128xf32, #tpu.memory_space<vmem>> -> memref<3080xf32, #tpu.memory_space<vmem>>
          tpu.wait_dma2 semaphore(%run_scoped3A : memref<!tpu.dma_semaphore, #tpu.memory_space<semaphore_mem>>) src(%dma_wait3A_110 : memref<3080xf32, #tpu.memory_space<vmem>>) dst(%dma_wait3A_108 : memref<3080xf32, #tpu.memory_space<hbm>>)
          tpu.yield
        }) : () -> ()
      } else {
      }
      %mul3A_81 = arith.constant 3128 : i32
      %mul3A_82 = arith.muli %arg1, %mul3A_81 : i32
      %add3A_83 = arith.constant 100096 : i32
      %add3A_84 = arith.addi %add3A_83, %mul3A_82 : i32
      %multiple_of3A_85 = tpu.assume_multiple %add3A_84, 8 : i32
      %mul3A_86 = arith.constant 3128 : i32
      %mul3A_87 = arith.muli %arg1, %mul3A_86 : i32
      %add3A_88 = arith.constant 100000 : i32
      %add3A_89 = arith.addi %add3A_88, %mul3A_87 : i32
      %multiple_of3A_90 = tpu.assume_multiple %add3A_89, 8 : i32
      %lt3A_91 = arith.constant 15 : i32
      %lt3A_92 = arith.cmpi slt, %arg1, %lt3A_91 : i32
      %convert_element_type3A_93 = arith.extui %lt3A_92 : i1 to i32
      %cond3A_94 = arith.constant 0 : i32
      %cond3A_95 = arith.cmpi ne, %convert_element_type3A_93, %cond3A_94 : i32
      scf.if %cond3A_95 {
        "tpu.region"() ({
          %run_scoped3A = tpu.sem_alloc : memref<!tpu.dma_semaphore, #tpu.memory_space<semaphore_mem>>
          %dma_start3A = arith.constant 0 : i32
          %dma_start3A_101 = tpu.memref_slice %arg14[%dma_start3A] : memref<3128xf32, #tpu.memory_space<vmem>> -> memref<3128xf32, #tpu.memory_space<vmem>>
          %dma_start3A_102 = tpu.memref_slice %arg6[%multiple_of3A_85] : memref<150144xf32, #tpu.memory_space<vmem_shared>> -> memref<3128xf32, #tpu.memory_space<vmem_shared>>
          %dma_start3A_103 = arith.constant 0 : i32
          %dma_start3A_104 = tpu.memref_slice %arg14[%dma_start3A_103] : memref<3128xf32, #tpu.memory_space<vmem>> -> memref<3128xf32, #tpu.memory_space<vmem>>
          %dma_start3A_105 = tpu.memref_slice %arg6[%multiple_of3A_85] : memref<150144xf32, #tpu.memory_space<vmem_shared>> -> memref<3128xf32, #tpu.memory_space<vmem_shared>>
          tpu.enqueue_dma source(%dma_start3A_105 : memref<3128xf32, #tpu.memory_space<vmem_shared>>) target(%dma_start3A_104 : memref<3128xf32, #tpu.memory_space<vmem>>) target_semaphore(%run_scoped3A : memref<!tpu.dma_semaphore, #tpu.memory_space<semaphore_mem>>)
          %dma_wait3A = arith.constant 0 : i32
          %dma_wait3A_106 = tpu.memref_slice %arg14[%dma_wait3A] : memref<3128xf32, #tpu.memory_space<vmem>> -> memref<3128xf32, #tpu.memory_space<vmem>>
          %dma_wait3A_107 = tpu.memref_slice %arg6[%multiple_of3A_85] : memref<150144xf32, #tpu.memory_space<vmem_shared>> -> memref<3128xf32, #tpu.memory_space<vmem_shared>>
          %dma_wait3A_108 = arith.constant 0 : i32
          %dma_wait3A_109 = tpu.memref_slice %arg14[%dma_wait3A_108] : memref<3128xf32, #tpu.memory_space<vmem>> -> memref<3128xf32, #tpu.memory_space<vmem>>
          %dma_wait3A_110 = tpu.memref_slice %arg6[%multiple_of3A_85] : memref<150144xf32, #tpu.memory_space<vmem_shared>> -> memref<3128xf32, #tpu.memory_space<vmem_shared>>
          tpu.wait_dma2 semaphore(%run_scoped3A : memref<!tpu.dma_semaphore, #tpu.memory_space<semaphore_mem>>) src(%dma_wait3A_110 : memref<3128xf32, #tpu.memory_space<vmem_shared>>) dst(%dma_wait3A_109 : memref<3128xf32, #tpu.memory_space<vmem>>)
          tpu.yield
        }) : () -> ()
        "tpu.region"() ({
          %run_scoped3A = tpu.sem_alloc : memref<!tpu.dma_semaphore, #tpu.memory_space<semaphore_mem>>
          %dma_start3A = arith.constant 0 : i32
          %dma_start3A_101 = tpu.memref_slice %arg14[%dma_start3A] : memref<3128xf32, #tpu.memory_space<vmem>> -> memref<3128xf32, #tpu.memory_space<vmem>>
          %dma_start3A_102 = tpu.memref_slice %arg4[%multiple_of3A_90] : memref<150000xf32, #tpu.memory_space<hbm>> -> memref<3128xf32, #tpu.memory_space<hbm>>
          %dma_start3A_103 = tpu.memref_slice %arg4[%multiple_of3A_90] : memref<150000xf32, #tpu.memory_space<hbm>> -> memref<3128xf32, #tpu.memory_space<hbm>>
          %dma_start3A_104 = arith.constant 0 : i32
          %dma_start3A_105 = tpu.memref_slice %arg14[%dma_start3A_104] : memref<3128xf32, #tpu.memory_space<vmem>> -> memref<3128xf32, #tpu.memory_space<vmem>>
          tpu.enqueue_dma source(%dma_start3A_105 : memref<3128xf32, #tpu.memory_space<vmem>>) target(%dma_start3A_103 : memref<3128xf32, #tpu.memory_space<hbm>>) target_semaphore(%run_scoped3A : memref<!tpu.dma_semaphore, #tpu.memory_space<semaphore_mem>>)
          %dma_wait3A = arith.constant 0 : i32
          %dma_wait3A_106 = tpu.memref_slice %arg14[%dma_wait3A] : memref<3128xf32, #tpu.memory_space<vmem>> -> memref<3128xf32, #tpu.memory_space<vmem>>
          %dma_wait3A_107 = tpu.memref_slice %arg4[%multiple_of3A_90] : memref<150000xf32, #tpu.memory_space<hbm>> -> memref<3128xf32, #tpu.memory_space<hbm>>
          %dma_wait3A_108 = tpu.memref_slice %arg4[%multiple_of3A_90] : memref<150000xf32, #tpu.memory_space<hbm>> -> memref<3128xf32, #tpu.memory_space<hbm>>
          %dma_wait3A_109 = arith.constant 0 : i32
          %dma_wait3A_110 = tpu.memref_slice %arg14[%dma_wait3A_109] : memref<3128xf32, #tpu.memory_space<vmem>> -> memref<3128xf32, #tpu.memory_space<vmem>>
          tpu.wait_dma2 semaphore(%run_scoped3A : memref<!tpu.dma_semaphore, #tpu.memory_space<semaphore_mem>>) src(%dma_wait3A_110 : memref<3128xf32, #tpu.memory_space<vmem>>) dst(%dma_wait3A_108 : memref<3128xf32, #tpu.memory_space<hbm>>)
          tpu.yield
        }) : () -> ()
      } else {
      }
      %eq3A_96 = arith.constant 15 : i32
      %eq3A_97 = arith.cmpi eq, %arg1, %eq3A_96 : i32
      %convert_element_type3A_98 = arith.extui %eq3A_97 : i1 to i32
      %cond3A_99 = arith.constant 0 : i32
      %cond3A_100 = arith.cmpi ne, %convert_element_type3A_98, %cond3A_99 : i32
      scf.if %cond3A_100 {
        "tpu.region"() ({
          %run_scoped3A = tpu.sem_alloc : memref<!tpu.dma_semaphore, #tpu.memory_space<semaphore_mem>>
          %dma_start3A = arith.constant 0 : i32
          %dma_start3A_101 = tpu.memref_slice %arg14[%dma_start3A] : memref<3128xf32, #tpu.memory_space<vmem>> -> memref<3080xf32, #tpu.memory_space<vmem>>
          %dma_start3A_102 = tpu.memref_slice %arg6[%multiple_of3A_85] : memref<150144xf32, #tpu.memory_space<vmem_shared>> -> memref<3080xf32, #tpu.memory_space<vmem_shared>>
          %dma_start3A_103 = arith.constant 0 : i32
          %dma_start3A_104 = tpu.memref_slice %arg14[%dma_start3A_103] : memref<3128xf32, #tpu.memory_space<vmem>> -> memref<3080xf32, #tpu.memory_space<vmem>>
          %dma_start3A_105 = tpu.memref_slice %arg6[%multiple_of3A_85] : memref<150144xf32, #tpu.memory_space<vmem_shared>> -> memref<3080xf32, #tpu.memory_space<vmem_shared>>
          tpu.enqueue_dma source(%dma_start3A_105 : memref<3080xf32, #tpu.memory_space<vmem_shared>>) target(%dma_start3A_104 : memref<3080xf32, #tpu.memory_space<vmem>>) target_semaphore(%run_scoped3A : memref<!tpu.dma_semaphore, #tpu.memory_space<semaphore_mem>>)
          %dma_wait3A = arith.constant 0 : i32
          %dma_wait3A_106 = tpu.memref_slice %arg14[%dma_wait3A] : memref<3128xf32, #tpu.memory_space<vmem>> -> memref<3080xf32, #tpu.memory_space<vmem>>
          %dma_wait3A_107 = tpu.memref_slice %arg6[%multiple_of3A_85] : memref<150144xf32, #tpu.memory_space<vmem_shared>> -> memref<3080xf32, #tpu.memory_space<vmem_shared>>
          %dma_wait3A_108 = arith.constant 0 : i32
          %dma_wait3A_109 = tpu.memref_slice %arg14[%dma_wait3A_108] : memref<3128xf32, #tpu.memory_space<vmem>> -> memref<3080xf32, #tpu.memory_space<vmem>>
          %dma_wait3A_110 = tpu.memref_slice %arg6[%multiple_of3A_85] : memref<150144xf32, #tpu.memory_space<vmem_shared>> -> memref<3080xf32, #tpu.memory_space<vmem_shared>>
          tpu.wait_dma2 semaphore(%run_scoped3A : memref<!tpu.dma_semaphore, #tpu.memory_space<semaphore_mem>>) src(%dma_wait3A_110 : memref<3080xf32, #tpu.memory_space<vmem_shared>>) dst(%dma_wait3A_109 : memref<3080xf32, #tpu.memory_space<vmem>>)
          tpu.yield
        }) : () -> ()
        "tpu.region"() ({
          %run_scoped3A = tpu.sem_alloc : memref<!tpu.dma_semaphore, #tpu.memory_space<semaphore_mem>>
          %dma_start3A = arith.constant 0 : i32
          %dma_start3A_101 = tpu.memref_slice %arg14[%dma_start3A] : memref<3128xf32, #tpu.memory_space<vmem>> -> memref<3080xf32, #tpu.memory_space<vmem>>
          %dma_start3A_102 = tpu.memref_slice %arg4[%multiple_of3A_90] : memref<150000xf32, #tpu.memory_space<hbm>> -> memref<3080xf32, #tpu.memory_space<hbm>>
          %dma_start3A_103 = tpu.memref_slice %arg4[%multiple_of3A_90] : memref<150000xf32, #tpu.memory_space<hbm>> -> memref<3080xf32, #tpu.memory_space<hbm>>
          %dma_start3A_104 = arith.constant 0 : i32
          %dma_start3A_105 = tpu.memref_slice %arg14[%dma_start3A_104] : memref<3128xf32, #tpu.memory_space<vmem>> -> memref<3080xf32, #tpu.memory_space<vmem>>
          tpu.enqueue_dma source(%dma_start3A_105 : memref<3080xf32, #tpu.memory_space<vmem>>) target(%dma_start3A_103 : memref<3080xf32, #tpu.memory_space<hbm>>) target_semaphore(%run_scoped3A : memref<!tpu.dma_semaphore, #tpu.memory_space<semaphore_mem>>)
          %dma_wait3A = arith.constant 0 : i32
          %dma_wait3A_106 = tpu.memref_slice %arg14[%dma_wait3A] : memref<3128xf32, #tpu.memory_space<vmem>> -> memref<3080xf32, #tpu.memory_space<vmem>>
          %dma_wait3A_107 = tpu.memref_slice %arg4[%multiple_of3A_90] : memref<150000xf32, #tpu.memory_space<hbm>> -> memref<3080xf32, #tpu.memory_space<hbm>>
          %dma_wait3A_108 = tpu.memref_slice %arg4[%multiple_of3A_90] : memref<150000xf32, #tpu.memory_space<hbm>> -> memref<3080xf32, #tpu.memory_space<hbm>>
          %dma_wait3A_109 = arith.constant 0 : i32
          %dma_wait3A_110 = tpu.memref_slice %arg14[%dma_wait3A_109] : memref<3128xf32, #tpu.memory_space<vmem>> -> memref<3080xf32, #tpu.memory_space<vmem>>
          tpu.wait_dma2 semaphore(%run_scoped3A : memref<!tpu.dma_semaphore, #tpu.memory_space<semaphore_mem>>) src(%dma_wait3A_110 : memref<3080xf32, #tpu.memory_space<vmem>>) dst(%dma_wait3A_108 : memref<3080xf32, #tpu.memory_space<hbm>>)
          tpu.yield
        }) : () -> ()
      } else {
      }
    } else {
    }
    %eq3A_36 = arith.constant 1 : i32
    %eq3A_37 = arith.cmpi eq, %arg0, %eq3A_36 : i32
    %convert_element_type3A_38 = arith.extui %eq3A_37 : i1 to i32
    %cond3A_39 = arith.constant 0 : i32
    %cond3A_40 = arith.cmpi ne, %convert_element_type3A_38, %cond3A_39 : i32
    scf.if %cond3A_40 {
      %mul3A_41 = arith.constant 3128 : i32
      %mul3A_42 = arith.muli %arg1, %mul3A_41 : i32
      %add3A_43 = arith.constant 0 : i32
      %add3A_44 = arith.addi %add3A_43, %mul3A_42 : i32
      %multiple_of3A_45 = tpu.assume_multiple %add3A_44, 8 : i32
      %mul3A_46 = arith.constant 3128 : i32
      %mul3A_47 = arith.muli %arg1, %mul3A_46 : i32
      %add3A_48 = arith.constant 0 : i32
      %add3A_49 = arith.addi %add3A_48, %mul3A_47 : i32
      %multiple_of3A_50 = tpu.assume_multiple %add3A_49, 8 : i32
      %lt3A_51 = arith.constant 15 : i32
      %lt3A_52 = arith.cmpi slt, %arg1, %lt3A_51 : i32
      %convert_element_type3A_53 = arith.extui %lt3A_52 : i1 to i32
      %cond3A_54 = arith.constant 0 : i32
      %cond3A_55 = arith.cmpi ne, %convert_element_type3A_53, %cond3A_54 : i32
      scf.if %cond3A_55 {
        "tpu.region"() ({
          %run_scoped3A = tpu.sem_alloc : memref<!tpu.dma_semaphore, #tpu.memory_space<semaphore_mem>>
          %dma_start3A = arith.constant 0 : i32
          %dma_start3A_101 = tpu.memref_slice %arg14[%dma_start3A] : memref<3128xf32, #tpu.memory_space<vmem>> -> memref<3128xf32, #tpu.memory_space<vmem>>
          %dma_start3A_102 = tpu.memref_slice %arg6[%multiple_of3A_45] : memref<150144xf32, #tpu.memory_space<vmem_shared>> -> memref<3128xf32, #tpu.memory_space<vmem_shared>>
          %dma_start3A_103 = arith.constant 0 : i32
          %dma_start3A_104 = tpu.memref_slice %arg14[%dma_start3A_103] : memref<3128xf32, #tpu.memory_space<vmem>> -> memref<3128xf32, #tpu.memory_space<vmem>>
          %dma_start3A_105 = tpu.memref_slice %arg6[%multiple_of3A_45] : memref<150144xf32, #tpu.memory_space<vmem_shared>> -> memref<3128xf32, #tpu.memory_space<vmem_shared>>
          tpu.enqueue_dma source(%dma_start3A_105 : memref<3128xf32, #tpu.memory_space<vmem_shared>>) target(%dma_start3A_104 : memref<3128xf32, #tpu.memory_space<vmem>>) target_semaphore(%run_scoped3A : memref<!tpu.dma_semaphore, #tpu.memory_space<semaphore_mem>>)
          %dma_wait3A = arith.constant 0 : i32
          %dma_wait3A_106 = tpu.memref_slice %arg14[%dma_wait3A] : memref<3128xf32, #tpu.memory_space<vmem>> -> memref<3128xf32, #tpu.memory_space<vmem>>
          %dma_wait3A_107 = tpu.memref_slice %arg6[%multiple_of3A_45] : memref<150144xf32, #tpu.memory_space<vmem_shared>> -> memref<3128xf32, #tpu.memory_space<vmem_shared>>
          %dma_wait3A_108 = arith.constant 0 : i32
          %dma_wait3A_109 = tpu.memref_slice %arg14[%dma_wait3A_108] : memref<3128xf32, #tpu.memory_space<vmem>> -> memref<3128xf32, #tpu.memory_space<vmem>>
          %dma_wait3A_110 = tpu.memref_slice %arg6[%multiple_of3A_45] : memref<150144xf32, #tpu.memory_space<vmem_shared>> -> memref<3128xf32, #tpu.memory_space<vmem_shared>>
          tpu.wait_dma2 semaphore(%run_scoped3A : memref<!tpu.dma_semaphore, #tpu.memory_space<semaphore_mem>>) src(%dma_wait3A_110 : memref<3128xf32, #tpu.memory_space<vmem_shared>>) dst(%dma_wait3A_109 : memref<3128xf32, #tpu.memory_space<vmem>>)
          tpu.yield
        }) : () -> ()
        "tpu.region"() ({
          %run_scoped3A = tpu.sem_alloc : memref<!tpu.dma_semaphore, #tpu.memory_space<semaphore_mem>>
          %dma_start3A = arith.constant 0 : i32
          %dma_start3A_101 = tpu.memref_slice %arg14[%dma_start3A] : memref<3128xf32, #tpu.memory_space<vmem>> -> memref<3128xf32, #tpu.memory_space<vmem>>
          %dma_start3A_102 = tpu.memref_slice %arg5[%multiple_of3A_50] : memref<150000xf32, #tpu.memory_space<hbm>> -> memref<3128xf32, #tpu.memory_space<hbm>>
          %dma_start3A_103 = tpu.memref_slice %arg5[%multiple_of3A_50] : memref<150000xf32, #tpu.memory_space<hbm>> -> memref<3128xf32, #tpu.memory_space<hbm>>
          %dma_start3A_104 = arith.constant 0 : i32
          %dma_start3A_105 = tpu.memref_slice %arg14[%dma_start3A_104] : memref<3128xf32, #tpu.memory_space<vmem>> -> memref<3128xf32, #tpu.memory_space<vmem>>
          tpu.enqueue_dma source(%dma_start3A_105 : memref<3128xf32, #tpu.memory_space<vmem>>) target(%dma_start3A_103 : memref<3128xf32, #tpu.memory_space<hbm>>) target_semaphore(%run_scoped3A : memref<!tpu.dma_semaphore, #tpu.memory_space<semaphore_mem>>)
          %dma_wait3A = arith.constant 0 : i32
          %dma_wait3A_106 = tpu.memref_slice %arg14[%dma_wait3A] : memref<3128xf32, #tpu.memory_space<vmem>> -> memref<3128xf32, #tpu.memory_space<vmem>>
          %dma_wait3A_107 = tpu.memref_slice %arg5[%multiple_of3A_50] : memref<150000xf32, #tpu.memory_space<hbm>> -> memref<3128xf32, #tpu.memory_space<hbm>>
          %dma_wait3A_108 = tpu.memref_slice %arg5[%multiple_of3A_50] : memref<150000xf32, #tpu.memory_space<hbm>> -> memref<3128xf32, #tpu.memory_space<hbm>>
          %dma_wait3A_109 = arith.constant 0 : i32
          %dma_wait3A_110 = tpu.memref_slice %arg14[%dma_wait3A_109] : memref<3128xf32, #tpu.memory_space<vmem>> -> memref<3128xf32, #tpu.memory_space<vmem>>
          tpu.wait_dma2 semaphore(%run_scoped3A : memref<!tpu.dma_semaphore, #tpu.memory_space<semaphore_mem>>) src(%dma_wait3A_110 : memref<3128xf32, #tpu.memory_space<vmem>>) dst(%dma_wait3A_108 : memref<3128xf32, #tpu.memory_space<hbm>>)
          tpu.yield
        }) : () -> ()
      } else {
      }
      %eq3A_56 = arith.constant 15 : i32
      %eq3A_57 = arith.cmpi eq, %arg1, %eq3A_56 : i32
      %convert_element_type3A_58 = arith.extui %eq3A_57 : i1 to i32
      %cond3A_59 = arith.constant 0 : i32
      %cond3A_60 = arith.cmpi ne, %convert_element_type3A_58, %cond3A_59 : i32
      scf.if %cond3A_60 {
        "tpu.region"() ({
          %run_scoped3A = tpu.sem_alloc : memref<!tpu.dma_semaphore, #tpu.memory_space<semaphore_mem>>
          %dma_start3A = arith.constant 0 : i32
          %dma_start3A_101 = tpu.memref_slice %arg14[%dma_start3A] : memref<3128xf32, #tpu.memory_space<vmem>> -> memref<3080xf32, #tpu.memory_space<vmem>>
          %dma_start3A_102 = tpu.memref_slice %arg6[%multiple_of3A_45] : memref<150144xf32, #tpu.memory_space<vmem_shared>> -> memref<3080xf32, #tpu.memory_space<vmem_shared>>
          %dma_start3A_103 = arith.constant 0 : i32
          %dma_start3A_104 = tpu.memref_slice %arg14[%dma_start3A_103] : memref<3128xf32, #tpu.memory_space<vmem>> -> memref<3080xf32, #tpu.memory_space<vmem>>
          %dma_start3A_105 = tpu.memref_slice %arg6[%multiple_of3A_45] : memref<150144xf32, #tpu.memory_space<vmem_shared>> -> memref<3080xf32, #tpu.memory_space<vmem_shared>>
          tpu.enqueue_dma source(%dma_start3A_105 : memref<3080xf32, #tpu.memory_space<vmem_shared>>) target(%dma_start3A_104 : memref<3080xf32, #tpu.memory_space<vmem>>) target_semaphore(%run_scoped3A : memref<!tpu.dma_semaphore, #tpu.memory_space<semaphore_mem>>)
          %dma_wait3A = arith.constant 0 : i32
          %dma_wait3A_106 = tpu.memref_slice %arg14[%dma_wait3A] : memref<3128xf32, #tpu.memory_space<vmem>> -> memref<3080xf32, #tpu.memory_space<vmem>>
          %dma_wait3A_107 = tpu.memref_slice %arg6[%multiple_of3A_45] : memref<150144xf32, #tpu.memory_space<vmem_shared>> -> memref<3080xf32, #tpu.memory_space<vmem_shared>>
          %dma_wait3A_108 = arith.constant 0 : i32
          %dma_wait3A_109 = tpu.memref_slice %arg14[%dma_wait3A_108] : memref<3128xf32, #tpu.memory_space<vmem>> -> memref<3080xf32, #tpu.memory_space<vmem>>
          %dma_wait3A_110 = tpu.memref_slice %arg6[%multiple_of3A_45] : memref<150144xf32, #tpu.memory_space<vmem_shared>> -> memref<3080xf32, #tpu.memory_space<vmem_shared>>
          tpu.wait_dma2 semaphore(%run_scoped3A : memref<!tpu.dma_semaphore, #tpu.memory_space<semaphore_mem>>) src(%dma_wait3A_110 : memref<3080xf32, #tpu.memory_space<vmem_shared>>) dst(%dma_wait3A_109 : memref<3080xf32, #tpu.memory_space<vmem>>)
          tpu.yield
        }) : () -> ()
        "tpu.region"() ({
          %run_scoped3A = tpu.sem_alloc : memref<!tpu.dma_semaphore, #tpu.memory_space<semaphore_mem>>
          %dma_start3A = arith.constant 0 : i32
          %dma_start3A_101 = tpu.memref_slice %arg14[%dma_start3A] : memref<3128xf32, #tpu.memory_space<vmem>> -> memref<3080xf32, #tpu.memory_space<vmem>>
          %dma_start3A_102 = tpu.memref_slice %arg5[%multiple_of3A_50] : memref<150000xf32, #tpu.memory_space<hbm>> -> memref<3080xf32, #tpu.memory_space<hbm>>
          %dma_start3A_103 = tpu.memref_slice %arg5[%multiple_of3A_50] : memref<150000xf32, #tpu.memory_space<hbm>> -> memref<3080xf32, #tpu.memory_space<hbm>>
          %dma_start3A_104 = arith.constant 0 : i32
          %dma_start3A_105 = tpu.memref_slice %arg14[%dma_start3A_104] : memref<3128xf32, #tpu.memory_space<vmem>> -> memref<3080xf32, #tpu.memory_space<vmem>>
          tpu.enqueue_dma source(%dma_start3A_105 : memref<3080xf32, #tpu.memory_space<vmem>>) target(%dma_start3A_103 : memref<3080xf32, #tpu.memory_space<hbm>>) target_semaphore(%run_scoped3A : memref<!tpu.dma_semaphore, #tpu.memory_space<semaphore_mem>>)
          %dma_wait3A = arith.constant 0 : i32
          %dma_wait3A_106 = tpu.memref_slice %arg14[%dma_wait3A] : memref<3128xf32, #tpu.memory_space<vmem>> -> memref<3080xf32, #tpu.memory_space<vmem>>
          %dma_wait3A_107 = tpu.memref_slice %arg5[%multiple_of3A_50] : memref<150000xf32, #tpu.memory_space<hbm>> -> memref<3080xf32, #tpu.memory_space<hbm>>
          %dma_wait3A_108 = tpu.memref_slice %arg5[%multiple_of3A_50] : memref<150000xf32, #tpu.memory_space<hbm>> -> memref<3080xf32, #tpu.memory_space<hbm>>
          %dma_wait3A_109 = arith.constant 0 : i32
          %dma_wait3A_110 = tpu.memref_slice %arg14[%dma_wait3A_109] : memref<3128xf32, #tpu.memory_space<vmem>> -> memref<3080xf32, #tpu.memory_space<vmem>>
          tpu.wait_dma2 semaphore(%run_scoped3A : memref<!tpu.dma_semaphore, #tpu.memory_space<semaphore_mem>>) src(%dma_wait3A_110 : memref<3080xf32, #tpu.memory_space<vmem>>) dst(%dma_wait3A_108 : memref<3080xf32, #tpu.memory_space<hbm>>)
          tpu.yield
        }) : () -> ()
      } else {
      }
      %mul3A_61 = arith.constant 3128 : i32
      %mul3A_62 = arith.muli %arg1, %mul3A_61 : i32
      %add3A_63 = arith.constant 50048 : i32
      %add3A_64 = arith.addi %add3A_63, %mul3A_62 : i32
      %multiple_of3A_65 = tpu.assume_multiple %add3A_64, 8 : i32
      %mul3A_66 = arith.constant 3128 : i32
      %mul3A_67 = arith.muli %arg1, %mul3A_66 : i32
      %add3A_68 = arith.constant 50000 : i32
      %add3A_69 = arith.addi %add3A_68, %mul3A_67 : i32
      %multiple_of3A_70 = tpu.assume_multiple %add3A_69, 8 : i32
      %lt3A_71 = arith.constant 15 : i32
      %lt3A_72 = arith.cmpi slt, %arg1, %lt3A_71 : i32
      %convert_element_type3A_73 = arith.extui %lt3A_72 : i1 to i32
      %cond3A_74 = arith.constant 0 : i32
      %cond3A_75 = arith.cmpi ne, %convert_element_type3A_73, %cond3A_74 : i32
      scf.if %cond3A_75 {
        "tpu.region"() ({
          %run_scoped3A = tpu.sem_alloc : memref<!tpu.dma_semaphore, #tpu.memory_space<semaphore_mem>>
          %dma_start3A = arith.constant 0 : i32
          %dma_start3A_101 = tpu.memref_slice %arg14[%dma_start3A] : memref<3128xf32, #tpu.memory_space<vmem>> -> memref<3128xf32, #tpu.memory_space<vmem>>
          %dma_start3A_102 = tpu.memref_slice %arg6[%multiple_of3A_65] : memref<150144xf32, #tpu.memory_space<vmem_shared>> -> memref<3128xf32, #tpu.memory_space<vmem_shared>>
          %dma_start3A_103 = arith.constant 0 : i32
          %dma_start3A_104 = tpu.memref_slice %arg14[%dma_start3A_103] : memref<3128xf32, #tpu.memory_space<vmem>> -> memref<3128xf32, #tpu.memory_space<vmem>>
          %dma_start3A_105 = tpu.memref_slice %arg6[%multiple_of3A_65] : memref<150144xf32, #tpu.memory_space<vmem_shared>> -> memref<3128xf32, #tpu.memory_space<vmem_shared>>
          tpu.enqueue_dma source(%dma_start3A_105 : memref<3128xf32, #tpu.memory_space<vmem_shared>>) target(%dma_start3A_104 : memref<3128xf32, #tpu.memory_space<vmem>>) target_semaphore(%run_scoped3A : memref<!tpu.dma_semaphore, #tpu.memory_space<semaphore_mem>>)
          %dma_wait3A = arith.constant 0 : i32
          %dma_wait3A_106 = tpu.memref_slice %arg14[%dma_wait3A] : memref<3128xf32, #tpu.memory_space<vmem>> -> memref<3128xf32, #tpu.memory_space<vmem>>
          %dma_wait3A_107 = tpu.memref_slice %arg6[%multiple_of3A_65] : memref<150144xf32, #tpu.memory_space<vmem_shared>> -> memref<3128xf32, #tpu.memory_space<vmem_shared>>
          %dma_wait3A_108 = arith.constant 0 : i32
          %dma_wait3A_109 = tpu.memref_slice %arg14[%dma_wait3A_108] : memref<3128xf32, #tpu.memory_space<vmem>> -> memref<3128xf32, #tpu.memory_space<vmem>>
          %dma_wait3A_110 = tpu.memref_slice %arg6[%multiple_of3A_65] : memref<150144xf32, #tpu.memory_space<vmem_shared>> -> memref<3128xf32, #tpu.memory_space<vmem_shared>>
          tpu.wait_dma2 semaphore(%run_scoped3A : memref<!tpu.dma_semaphore, #tpu.memory_space<semaphore_mem>>) src(%dma_wait3A_110 : memref<3128xf32, #tpu.memory_space<vmem_shared>>) dst(%dma_wait3A_109 : memref<3128xf32, #tpu.memory_space<vmem>>)
          tpu.yield
        }) : () -> ()
        "tpu.region"() ({
          %run_scoped3A = tpu.sem_alloc : memref<!tpu.dma_semaphore, #tpu.memory_space<semaphore_mem>>
          %dma_start3A = arith.constant 0 : i32
          %dma_start3A_101 = tpu.memref_slice %arg14[%dma_start3A] : memref<3128xf32, #tpu.memory_space<vmem>> -> memref<3128xf32, #tpu.memory_space<vmem>>
          %dma_start3A_102 = tpu.memref_slice %arg5[%multiple_of3A_70] : memref<150000xf32, #tpu.memory_space<hbm>> -> memref<3128xf32, #tpu.memory_space<hbm>>
          %dma_start3A_103 = tpu.memref_slice %arg5[%multiple_of3A_70] : memref<150000xf32, #tpu.memory_space<hbm>> -> memref<3128xf32, #tpu.memory_space<hbm>>
          %dma_start3A_104 = arith.constant 0 : i32
          %dma_start3A_105 = tpu.memref_slice %arg14[%dma_start3A_104] : memref<3128xf32, #tpu.memory_space<vmem>> -> memref<3128xf32, #tpu.memory_space<vmem>>
          tpu.enqueue_dma source(%dma_start3A_105 : memref<3128xf32, #tpu.memory_space<vmem>>) target(%dma_start3A_103 : memref<3128xf32, #tpu.memory_space<hbm>>) target_semaphore(%run_scoped3A : memref<!tpu.dma_semaphore, #tpu.memory_space<semaphore_mem>>)
          %dma_wait3A = arith.constant 0 : i32
          %dma_wait3A_106 = tpu.memref_slice %arg14[%dma_wait3A] : memref<3128xf32, #tpu.memory_space<vmem>> -> memref<3128xf32, #tpu.memory_space<vmem>>
          %dma_wait3A_107 = tpu.memref_slice %arg5[%multiple_of3A_70] : memref<150000xf32, #tpu.memory_space<hbm>> -> memref<3128xf32, #tpu.memory_space<hbm>>
          %dma_wait3A_108 = tpu.memref_slice %arg5[%multiple_of3A_70] : memref<150000xf32, #tpu.memory_space<hbm>> -> memref<3128xf32, #tpu.memory_space<hbm>>
          %dma_wait3A_109 = arith.constant 0 : i32
          %dma_wait3A_110 = tpu.memref_slice %arg14[%dma_wait3A_109] : memref<3128xf32, #tpu.memory_space<vmem>> -> memref<3128xf32, #tpu.memory_space<vmem>>
          tpu.wait_dma2 semaphore(%run_scoped3A : memref<!tpu.dma_semaphore, #tpu.memory_space<semaphore_mem>>) src(%dma_wait3A_110 : memref<3128xf32, #tpu.memory_space<vmem>>) dst(%dma_wait3A_108 : memref<3128xf32, #tpu.memory_space<hbm>>)
          tpu.yield
        }) : () -> ()
      } else {
      }
      %eq3A_76 = arith.constant 15 : i32
      %eq3A_77 = arith.cmpi eq, %arg1, %eq3A_76 : i32
      %convert_element_type3A_78 = arith.extui %eq3A_77 : i1 to i32
      %cond3A_79 = arith.constant 0 : i32
      %cond3A_80 = arith.cmpi ne, %convert_element_type3A_78, %cond3A_79 : i32
      scf.if %cond3A_80 {
        "tpu.region"() ({
          %run_scoped3A = tpu.sem_alloc : memref<!tpu.dma_semaphore, #tpu.memory_space<semaphore_mem>>
          %dma_start3A = arith.constant 0 : i32
          %dma_start3A_101 = tpu.memref_slice %arg14[%dma_start3A] : memref<3128xf32, #tpu.memory_space<vmem>> -> memref<3080xf32, #tpu.memory_space<vmem>>
          %dma_start3A_102 = tpu.memref_slice %arg6[%multiple_of3A_65] : memref<150144xf32, #tpu.memory_space<vmem_shared>> -> memref<3080xf32, #tpu.memory_space<vmem_shared>>
          %dma_start3A_103 = arith.constant 0 : i32
          %dma_start3A_104 = tpu.memref_slice %arg14[%dma_start3A_103] : memref<3128xf32, #tpu.memory_space<vmem>> -> memref<3080xf32, #tpu.memory_space<vmem>>
          %dma_start3A_105 = tpu.memref_slice %arg6[%multiple_of3A_65] : memref<150144xf32, #tpu.memory_space<vmem_shared>> -> memref<3080xf32, #tpu.memory_space<vmem_shared>>
          tpu.enqueue_dma source(%dma_start3A_105 : memref<3080xf32, #tpu.memory_space<vmem_shared>>) target(%dma_start3A_104 : memref<3080xf32, #tpu.memory_space<vmem>>) target_semaphore(%run_scoped3A : memref<!tpu.dma_semaphore, #tpu.memory_space<semaphore_mem>>)
          %dma_wait3A = arith.constant 0 : i32
          %dma_wait3A_106 = tpu.memref_slice %arg14[%dma_wait3A] : memref<3128xf32, #tpu.memory_space<vmem>> -> memref<3080xf32, #tpu.memory_space<vmem>>
          %dma_wait3A_107 = tpu.memref_slice %arg6[%multiple_of3A_65] : memref<150144xf32, #tpu.memory_space<vmem_shared>> -> memref<3080xf32, #tpu.memory_space<vmem_shared>>
          %dma_wait3A_108 = arith.constant 0 : i32
          %dma_wait3A_109 = tpu.memref_slice %arg14[%dma_wait3A_108] : memref<3128xf32, #tpu.memory_space<vmem>> -> memref<3080xf32, #tpu.memory_space<vmem>>
          %dma_wait3A_110 = tpu.memref_slice %arg6[%multiple_of3A_65] : memref<150144xf32, #tpu.memory_space<vmem_shared>> -> memref<3080xf32, #tpu.memory_space<vmem_shared>>
          tpu.wait_dma2 semaphore(%run_scoped3A : memref<!tpu.dma_semaphore, #tpu.memory_space<semaphore_mem>>) src(%dma_wait3A_110 : memref<3080xf32, #tpu.memory_space<vmem_shared>>) dst(%dma_wait3A_109 : memref<3080xf32, #tpu.memory_space<vmem>>)
          tpu.yield
        }) : () -> ()
        "tpu.region"() ({
          %run_scoped3A = tpu.sem_alloc : memref<!tpu.dma_semaphore, #tpu.memory_space<semaphore_mem>>
          %dma_start3A = arith.constant 0 : i32
          %dma_start3A_101 = tpu.memref_slice %arg14[%dma_start3A] : memref<3128xf32, #tpu.memory_space<vmem>> -> memref<3080xf32, #tpu.memory_space<vmem>>
          %dma_start3A_102 = tpu.memref_slice %arg5[%multiple_of3A_70] : memref<150000xf32, #tpu.memory_space<hbm>> -> memref<3080xf32, #tpu.memory_space<hbm>>
          %dma_start3A_103 = tpu.memref_slice %arg5[%multiple_of3A_70] : memref<150000xf32, #tpu.memory_space<hbm>> -> memref<3080xf32, #tpu.memory_space<hbm>>
          %dma_start3A_104 = arith.constant 0 : i32
          %dma_start3A_105 = tpu.memref_slice %arg14[%dma_start3A_104] : memref<3128xf32, #tpu.memory_space<vmem>> -> memref<3080xf32, #tpu.memory_space<vmem>>
          tpu.enqueue_dma source(%dma_start3A_105 : memref<3080xf32, #tpu.memory_space<vmem>>) target(%dma_start3A_103 : memref<3080xf32, #tpu.memory_space<hbm>>) target_semaphore(%run_scoped3A : memref<!tpu.dma_semaphore, #tpu.memory_space<semaphore_mem>>)
          %dma_wait3A = arith.constant 0 : i32
          %dma_wait3A_106 = tpu.memref_slice %arg14[%dma_wait3A] : memref<3128xf32, #tpu.memory_space<vmem>> -> memref<3080xf32, #tpu.memory_space<vmem>>
          %dma_wait3A_107 = tpu.memref_slice %arg5[%multiple_of3A_70] : memref<150000xf32, #tpu.memory_space<hbm>> -> memref<3080xf32, #tpu.memory_space<hbm>>
          %dma_wait3A_108 = tpu.memref_slice %arg5[%multiple_of3A_70] : memref<150000xf32, #tpu.memory_space<hbm>> -> memref<3080xf32, #tpu.memory_space<hbm>>
          %dma_wait3A_109 = arith.constant 0 : i32
          %dma_wait3A_110 = tpu.memref_slice %arg14[%dma_wait3A_109] : memref<3128xf32, #tpu.memory_space<vmem>> -> memref<3080xf32, #tpu.memory_space<vmem>>
          tpu.wait_dma2 semaphore(%run_scoped3A : memref<!tpu.dma_semaphore, #tpu.memory_space<semaphore_mem>>) src(%dma_wait3A_110 : memref<3080xf32, #tpu.memory_space<vmem>>) dst(%dma_wait3A_108 : memref<3080xf32, #tpu.memory_space<hbm>>)
          tpu.yield
        }) : () -> ()
      } else {
      }
      %mul3A_81 = arith.constant 3128 : i32
      %mul3A_82 = arith.muli %arg1, %mul3A_81 : i32
      %add3A_83 = arith.constant 100096 : i32
      %add3A_84 = arith.addi %add3A_83, %mul3A_82 : i32
      %multiple_of3A_85 = tpu.assume_multiple %add3A_84, 8 : i32
      %mul3A_86 = arith.constant 3128 : i32
      %mul3A_87 = arith.muli %arg1, %mul3A_86 : i32
      %add3A_88 = arith.constant 100000 : i32
      %add3A_89 = arith.addi %add3A_88, %mul3A_87 : i32
      %multiple_of3A_90 = tpu.assume_multiple %add3A_89, 8 : i32
      %lt3A_91 = arith.constant 15 : i32
      %lt3A_92 = arith.cmpi slt, %arg1, %lt3A_91 : i32
      %convert_element_type3A_93 = arith.extui %lt3A_92 : i1 to i32
      %cond3A_94 = arith.constant 0 : i32
      %cond3A_95 = arith.cmpi ne, %convert_element_type3A_93, %cond3A_94 : i32
      scf.if %cond3A_95 {
        "tpu.region"() ({
          %run_scoped3A = tpu.sem_alloc : memref<!tpu.dma_semaphore, #tpu.memory_space<semaphore_mem>>
          %dma_start3A = arith.constant 0 : i32
          %dma_start3A_101 = tpu.memref_slice %arg14[%dma_start3A] : memref<3128xf32, #tpu.memory_space<vmem>> -> memref<3128xf32, #tpu.memory_space<vmem>>
          %dma_start3A_102 = tpu.memref_slice %arg6[%multiple_of3A_85] : memref<150144xf32, #tpu.memory_space<vmem_shared>> -> memref<3128xf32, #tpu.memory_space<vmem_shared>>
          %dma_start3A_103 = arith.constant 0 : i32
          %dma_start3A_104 = tpu.memref_slice %arg14[%dma_start3A_103] : memref<3128xf32, #tpu.memory_space<vmem>> -> memref<3128xf32, #tpu.memory_space<vmem>>
          %dma_start3A_105 = tpu.memref_slice %arg6[%multiple_of3A_85] : memref<150144xf32, #tpu.memory_space<vmem_shared>> -> memref<3128xf32, #tpu.memory_space<vmem_shared>>
          tpu.enqueue_dma source(%dma_start3A_105 : memref<3128xf32, #tpu.memory_space<vmem_shared>>) target(%dma_start3A_104 : memref<3128xf32, #tpu.memory_space<vmem>>) target_semaphore(%run_scoped3A : memref<!tpu.dma_semaphore, #tpu.memory_space<semaphore_mem>>)
          %dma_wait3A = arith.constant 0 : i32
          %dma_wait3A_106 = tpu.memref_slice %arg14[%dma_wait3A] : memref<3128xf32, #tpu.memory_space<vmem>> -> memref<3128xf32, #tpu.memory_space<vmem>>
          %dma_wait3A_107 = tpu.memref_slice %arg6[%multiple_of3A_85] : memref<150144xf32, #tpu.memory_space<vmem_shared>> -> memref<3128xf32, #tpu.memory_space<vmem_shared>>
          %dma_wait3A_108 = arith.constant 0 : i32
          %dma_wait3A_109 = tpu.memref_slice %arg14[%dma_wait3A_108] : memref<3128xf32, #tpu.memory_space<vmem>> -> memref<3128xf32, #tpu.memory_space<vmem>>
          %dma_wait3A_110 = tpu.memref_slice %arg6[%multiple_of3A_85] : memref<150144xf32, #tpu.memory_space<vmem_shared>> -> memref<3128xf32, #tpu.memory_space<vmem_shared>>
          tpu.wait_dma2 semaphore(%run_scoped3A : memref<!tpu.dma_semaphore, #tpu.memory_space<semaphore_mem>>) src(%dma_wait3A_110 : memref<3128xf32, #tpu.memory_space<vmem_shared>>) dst(%dma_wait3A_109 : memref<3128xf32, #tpu.memory_space<vmem>>)
          tpu.yield
        }) : () -> ()
        "tpu.region"() ({
          %run_scoped3A = tpu.sem_alloc : memref<!tpu.dma_semaphore, #tpu.memory_space<semaphore_mem>>
          %dma_start3A = arith.constant 0 : i32
          %dma_start3A_101 = tpu.memref_slice %arg14[%dma_start3A] : memref<3128xf32, #tpu.memory_space<vmem>> -> memref<3128xf32, #tpu.memory_space<vmem>>
          %dma_start3A_102 = tpu.memref_slice %arg5[%multiple_of3A_90] : memref<150000xf32, #tpu.memory_space<hbm>> -> memref<3128xf32, #tpu.memory_space<hbm>>
          %dma_start3A_103 = tpu.memref_slice %arg5[%multiple_of3A_90] : memref<150000xf32, #tpu.memory_space<hbm>> -> memref<3128xf32, #tpu.memory_space<hbm>>
          %dma_start3A_104 = arith.constant 0 : i32
          %dma_start3A_105 = tpu.memref_slice %arg14[%dma_start3A_104] : memref<3128xf32, #tpu.memory_space<vmem>> -> memref<3128xf32, #tpu.memory_space<vmem>>
          tpu.enqueue_dma source(%dma_start3A_105 : memref<3128xf32, #tpu.memory_space<vmem>>) target(%dma_start3A_103 : memref<3128xf32, #tpu.memory_space<hbm>>) target_semaphore(%run_scoped3A : memref<!tpu.dma_semaphore, #tpu.memory_space<semaphore_mem>>)
          %dma_wait3A = arith.constant 0 : i32
          %dma_wait3A_106 = tpu.memref_slice %arg14[%dma_wait3A] : memref<3128xf32, #tpu.memory_space<vmem>> -> memref<3128xf32, #tpu.memory_space<vmem>>
          %dma_wait3A_107 = tpu.memref_slice %arg5[%multiple_of3A_90] : memref<150000xf32, #tpu.memory_space<hbm>> -> memref<3128xf32, #tpu.memory_space<hbm>>
          %dma_wait3A_108 = tpu.memref_slice %arg5[%multiple_of3A_90] : memref<150000xf32, #tpu.memory_space<hbm>> -> memref<3128xf32, #tpu.memory_space<hbm>>
          %dma_wait3A_109 = arith.constant 0 : i32
          %dma_wait3A_110 = tpu.memref_slice %arg14[%dma_wait3A_109] : memref<3128xf32, #tpu.memory_space<vmem>> -> memref<3128xf32, #tpu.memory_space<vmem>>
          tpu.wait_dma2 semaphore(%run_scoped3A : memref<!tpu.dma_semaphore, #tpu.memory_space<semaphore_mem>>) src(%dma_wait3A_110 : memref<3128xf32, #tpu.memory_space<vmem>>) dst(%dma_wait3A_108 : memref<3128xf32, #tpu.memory_space<hbm>>)
          tpu.yield
        }) : () -> ()
      } else {
      }
      %eq3A_96 = arith.constant 15 : i32
      %eq3A_97 = arith.cmpi eq, %arg1, %eq3A_96 : i32
      %convert_element_type3A_98 = arith.extui %eq3A_97 : i1 to i32
      %cond3A_99 = arith.constant 0 : i32
      %cond3A_100 = arith.cmpi ne, %convert_element_type3A_98, %cond3A_99 : i32
      scf.if %cond3A_100 {
        "tpu.region"() ({
          %run_scoped3A = tpu.sem_alloc : memref<!tpu.dma_semaphore, #tpu.memory_space<semaphore_mem>>
          %dma_start3A = arith.constant 0 : i32
          %dma_start3A_101 = tpu.memref_slice %arg14[%dma_start3A] : memref<3128xf32, #tpu.memory_space<vmem>> -> memref<3080xf32, #tpu.memory_space<vmem>>
          %dma_start3A_102 = tpu.memref_slice %arg6[%multiple_of3A_85] : memref<150144xf32, #tpu.memory_space<vmem_shared>> -> memref<3080xf32, #tpu.memory_space<vmem_shared>>
          %dma_start3A_103 = arith.constant 0 : i32
          %dma_start3A_104 = tpu.memref_slice %arg14[%dma_start3A_103] : memref<3128xf32, #tpu.memory_space<vmem>> -> memref<3080xf32, #tpu.memory_space<vmem>>
          %dma_start3A_105 = tpu.memref_slice %arg6[%multiple_of3A_85] : memref<150144xf32, #tpu.memory_space<vmem_shared>> -> memref<3080xf32, #tpu.memory_space<vmem_shared>>
          tpu.enqueue_dma source(%dma_start3A_105 : memref<3080xf32, #tpu.memory_space<vmem_shared>>) target(%dma_start3A_104 : memref<3080xf32, #tpu.memory_space<vmem>>) target_semaphore(%run_scoped3A : memref<!tpu.dma_semaphore, #tpu.memory_space<semaphore_mem>>)
          %dma_wait3A = arith.constant 0 : i32
          %dma_wait3A_106 = tpu.memref_slice %arg14[%dma_wait3A] : memref<3128xf32, #tpu.memory_space<vmem>> -> memref<3080xf32, #tpu.memory_space<vmem>>
          %dma_wait3A_107 = tpu.memref_slice %arg6[%multiple_of3A_85] : memref<150144xf32, #tpu.memory_space<vmem_shared>> -> memref<3080xf32, #tpu.memory_space<vmem_shared>>
          %dma_wait3A_108 = arith.constant 0 : i32
          %dma_wait3A_109 = tpu.memref_slice %arg14[%dma_wait3A_108] : memref<3128xf32, #tpu.memory_space<vmem>> -> memref<3080xf32, #tpu.memory_space<vmem>>
          %dma_wait3A_110 = tpu.memref_slice %arg6[%multiple_of3A_85] : memref<150144xf32, #tpu.memory_space<vmem_shared>> -> memref<3080xf32, #tpu.memory_space<vmem_shared>>
          tpu.wait_dma2 semaphore(%run_scoped3A : memref<!tpu.dma_semaphore, #tpu.memory_space<semaphore_mem>>) src(%dma_wait3A_110 : memref<3080xf32, #tpu.memory_space<vmem_shared>>) dst(%dma_wait3A_109 : memref<3080xf32, #tpu.memory_space<vmem>>)
          tpu.yield
        }) : () -> ()
        "tpu.region"() ({
          %run_scoped3A = tpu.sem_alloc : memref<!tpu.dma_semaphore, #tpu.memory_space<semaphore_mem>>
          %dma_start3A = arith.constant 0 : i32
          %dma_start3A_101 = tpu.memref_slice %arg14[%dma_start3A] : memref<3128xf32, #tpu.memory_space<vmem>> -> memref<3080xf32, #tpu.memory_space<vmem>>
          %dma_start3A_102 = tpu.memref_slice %arg5[%multiple_of3A_90] : memref<150000xf32, #tpu.memory_space<hbm>> -> memref<3080xf32, #tpu.memory_space<hbm>>
          %dma_start3A_103 = tpu.memref_slice %arg5[%multiple_of3A_90] : memref<150000xf32, #tpu.memory_space<hbm>> -> memref<3080xf32, #tpu.memory_space<hbm>>
          %dma_start3A_104 = arith.constant 0 : i32
          %dma_start3A_105 = tpu.memref_slice %arg14[%dma_start3A_104] : memref<3128xf32, #tpu.memory_space<vmem>> -> memref<3080xf32, #tpu.memory_space<vmem>>
          tpu.enqueue_dma source(%dma_start3A_105 : memref<3080xf32, #tpu.memory_space<vmem>>) target(%dma_start3A_103 : memref<3080xf32, #tpu.memory_space<hbm>>) target_semaphore(%run_scoped3A : memref<!tpu.dma_semaphore, #tpu.memory_space<semaphore_mem>>)
          %dma_wait3A = arith.constant 0 : i32
          %dma_wait3A_106 = tpu.memref_slice %arg14[%dma_wait3A] : memref<3128xf32, #tpu.memory_space<vmem>> -> memref<3080xf32, #tpu.memory_space<vmem>>
          %dma_wait3A_107 = tpu.memref_slice %arg5[%multiple_of3A_90] : memref<150000xf32, #tpu.memory_space<hbm>> -> memref<3080xf32, #tpu.memory_space<hbm>>
          %dma_wait3A_108 = tpu.memref_slice %arg5[%multiple_of3A_90] : memref<150000xf32, #tpu.memory_space<hbm>> -> memref<3080xf32, #tpu.memory_space<hbm>>
          %dma_wait3A_109 = arith.constant 0 : i32
          %dma_wait3A_110 = tpu.memref_slice %arg14[%dma_wait3A_109] : memref<3128xf32, #tpu.memory_space<vmem>> -> memref<3080xf32, #tpu.memory_space<vmem>>
          tpu.wait_dma2 semaphore(%run_scoped3A : memref<!tpu.dma_semaphore, #tpu.memory_space<semaphore_mem>>) src(%dma_wait3A_110 : memref<3080xf32, #tpu.memory_space<vmem>>) dst(%dma_wait3A_108 : memref<3080xf32, #tpu.memory_space<hbm>>)
          tpu.yield
        }) : () -> ()
      } else {
      }
    } else {
    }
    return
  }
}

module attributes {stable_mosaic.version = 14 : i64} {
  func.func @_tc_combine_body(%arg0: memref<1x1xf32, #tpu.memory_space<smem>>, %arg1: memref<150000xf32, #tpu.memory_space<vmem>>, %arg2: memref<150000xf32, #tpu.memory_space<vmem>>, %arg3: memref<150000xf32, #tpu.memory_space<vmem>>, %arg4: memref<150000xf32, #tpu.memory_space<vmem>>) attributes {dimension_semantics = [], scalar_prefetch = 0 : i64, scratch_operands = 0 : i64, tpu.core_type = #tpu.core_type<tc>} {
    %get3A = arith.constant 0 : index
    %get3A_0 = arith.constant 0 : index
    %get3A_1 = memref.load %arg0[%get3A, %get3A_0] : memref<1x1xf32, #tpu.memory_space<smem>>
    %get3A_2 = arith.constant 0 : index
    %get3A_3 = vector.load %arg1[%get3A_2] : memref<150000xf32, #tpu.memory_space<vmem>>, vector<150000xf32>
    %get3A_4 = arith.constant 0 : index
    %get3A_5 = vector.load %arg2[%get3A_4] : memref<150000xf32, #tpu.memory_space<vmem>>, vector<150000xf32>
    %get3A_6 = arith.constant 0 : index
    %get3A_7 = vector.load %arg3[%get3A_6] : memref<150000xf32, #tpu.memory_space<vmem>>, vector<150000xf32>
    %add3A = arith.addf %get3A_5, %get3A_7 : vector<150000xf32>
    %mul3A = vector.broadcast %get3A_1 : f32 to vector<150000xf32>
    %mul3A_8 = arith.mulf %mul3A, %add3A : vector<150000xf32>
    %add3A_9 = arith.addf %get3A_3, %mul3A_8 : vector<150000xf32>
    %swap3A = arith.constant 0 : index
    %swap3A_10 = vector.load %arg4[%swap3A] : memref<150000xf32, #tpu.memory_space<vmem>>, vector<150000xf32>
    tpu.vector_store %arg4[%swap3A], %add3A_9 {strides = array<i32>} : memref<150000xf32, #tpu.memory_space<vmem>>, vector<150000xf32>,
    return
  }
}

</mosaic_0001>

<sc_bundles>
// kernel: kernel.4.cloned.1.call-start
scs
__scs_entry_jumppad:
0x0: {  	(pc) =	sbr.rel $0x88, $3  }
0x1: {  	(tag) =	ssettag $0x0;
	lr =	simm.s32 $0x1  }
0x2: {  	[smem:$0x3F9D] =	sst lr;
	_ =	strace $0xD0000000  }
0x3: {  	_ = 	snop  }
0x4: {  	_ = 	snop  }
0x5: {  	_ = 	snop  }
0x6: {  	_ = 	snop  }
0x7: {  	_ = 	snop  }
__scs_overlays_trampoline_lowered:
0x8: {  	[smem:$0x3FAC] =	sst s0  }
0x9: {  	[smem:$0x3FAD] =	sst s1  }
0xa: {  	[smem:$0x3FAE] =	sst s2  }
0xb: {  	[smem:$0x3FAF] =	sst s3  }
0xc: {  	[smem:$0x3FB0] =	sst s4  }
0xd: {  	[smem:$0x3FB1] =	sst s5  }
0xe: {  	[smem:$0x3FB2] =	sst s6  }
0xf: {  	[smem:$0x3FB3] =	sst s7  }
0x10: {  	[smem:$0x3FB4] =	sst s8  }
0x11: {  	[smem:$0x3FB5] =	sst s9;
	s0 =	simm.s32 @!p0 $0x0  }
0x12: {  	s1 =	sld [smem:$0x3F9B];
	s0 =	simm.s32 @p0 $0x1  }
0x13: {  	[smem:$0x3FB6] =	sst s0;
	s0 =	simm.s32 @!p1 $0x0  }
0x14: {  	s2 =	sld [smem:$0x3F9A];
	s0 =	simm.s32 @p1 $0x1  }
0x15: {  	[smem:$0x3FB7] =	sst s0;
	s0 =	simm.s32 @!p2 $0x0  }
0x16: {  	s3 =	sld [smem:$0x3FDB];
	s0 =	simm.s32 @p2 $0x1  }
0x17: {  	s4 =	simm.s32 $0x1BF5;
	[smem:$0x3FB9] =	sst s0  }
0x18: {  	s0 =	sld [smem:$0x3F9C];
	_ =	swait.ge [sflag:s4], $0x0  }
0x19: {  	s7 =	sld [smem:$0x3F9D]  }
0x1a: {  	s8 =	sadd.s32 $0xFFFFE003, lr  }
0x1b: {  	s9 =	sadd.s32 $0xFFFFFEF7, lr;
	s5 =	simm.s32 $0xFFFFFFFF;
	p2 =	slt.u32 s8, $0xFFFFF086  }
0x1c: {  	p1 =	slt.u32 s9, $0xF7A;
	s5 =	simm.s32 @!p2 $0x0  }
0x1d: {  	s5 =	simm.s32 @p1 $0x1;
	p0 =	seq.s32 s7, s2  }
0x1e: {  	s7 =	smul.u32 @!p0 $0xF7A, s2;
	p2 =	seq.s32 @!p0 s5, $0x0  }
0x1f: {  	s9 =	smul.u32 $0xF7A, s1;
	s8 =	simm.s32 @!p0 $0x1BF5;
	p2 =	por !p2, p0  }
0x20: {  	[sflag:s8] =	ssyncset.s32 @!p0 $0xFFFFF086;
	s6 =	sadd.s32 @!p0 s3, s7;
	s7 =	simm.s32 @!p0 $0x108  }
0x21: {  	s3 =	sadd.s32 s3, s9;
	s6 =	sadd.s32 @!p0 $0x88, s6;
	s7 =	simm.s32 @p2 $0x1082  }
0x22: {  	[simem:s7], [sflag:s8] =	dma.local @!p0 [hbm:s6], $0xF7A  }
0x23: {  	s9 =	sor.u32 $0xD0000000, s2;
	s6 =	simm.s32 $0x108;
	_ =	swait.ge @!p0 [sflag:s8], $0x0  }
0x24: {  	s3 =	sadd.s32 $0x88, s3;
	s6 =	simm.s32 @!p1 $0x1082;
	[sflag:s4] =	ssyncset.s32 $0xFFFFF086  }
0x25: {  	[simem:s6], [sflag:s4] =	dma.local [hbm:s3], $0xF7A  }
0x26: {  	[smem:$0x3F9D] =	sst s1;
	(tag) =	ssettag s2;
	_ =	strace s9  }
0x27: {  	s1 =	sld [smem:$0x3FAD]  }
0x28: {  	s2 =	sld [smem:$0x3FAE]  }
0x29: {  	s4 =	sld [smem:$0x3FB0]  }
0x2a: {  	p0 =	seq.s32 s5, $0x0;
	s5 =	sld [smem:$0x3FB1]  }
0x2b: {  	s6 =	sld [smem:$0x3FB2]  }
0x2c: {  	s7 =	sld [smem:$0x3FB3]  }
0x2d: {  	s3 =	simm.s32 $0x108;
	s8 =	sld [smem:$0x3FB4]  }
0x2e: {  	s3 =	simm.s32 @!p0 $0x1082;
	s9 =	sld [smem:$0x3FB5]  }
0x2f: {  	lr =	sadd.s32 s0, s3;
	s0 =	sld [smem:$0x3FAC]  }
0x30: {  	s3 =	sld [smem:$0x3FAF]  }
0x31: {  	[smem:$0x3FB8] =	sst s10  }
0x32: {  	s10 =	sld [smem:$0x3FB6];
	_ =	sdelay $0x3  }
0x33: {  	p0 =	seq.s32 s10, $0x1;
	s10 =	sld [smem:$0x3FB8];
	_ =	sdelay $0x3  }
0x34: {  	[smem:$0x3FB8] =	sst s10  }
0x35: {  	s10 =	sld [smem:$0x3FB7];
	_ =	sdelay $0x3  }
0x36: {  	p1 =	seq.s32 s10, $0x1;
	s10 =	sld [smem:$0x3FB8];
	_ =	sdelay $0x3  }
0x37: {  	[smem:$0x3FB8] =	sst s10  }
0x38: {  	s10 =	sld [smem:$0x3FB9]  }
0x39: {  	_ = 	snop;
	(pc) =	sbr.ind lr, $3  }
0x3a: {  	_ = 	snop  }
0x3b: {  	_ = 	snop  }
0x3c: {  	p2 =	seq.s32 s10, $0x1;
	s10 =	sld [smem:$0x3FB8]  }
0x3d: {  	_ =	shalt  }
0x3e: {  	_ =	shalt  }
0x3f: {  	_ =	shalt  }
0x40: {  	_ =	shalt  }
0x41: {  	_ =	shalt  }
0x42: {  	_ =	shalt  }
0x43: {  	_ =	shalt  }
0x44: {  	_ =	shalt  }
0x45: {  	_ =	shalt  }
0x46: {  	_ =	shalt  }
0x47: {  	_ =	shalt  }
0x48: {  	_ =	shalt  }
0x49: {  	_ =	shalt  }
0x4a: {  	_ =	shalt  }
0x4b: {  	_ =	shalt  }
0x4c: {  	_ =	shalt  }
0x4d: {  	_ =	shalt  }
0x4e: {  	_ =	shalt  }
0x4f: {  	_ =	shalt  }
0x50: {  	_ =	shalt  }
0x51: {  	_ =	shalt  }
0x52: {  	_ =	shalt  }
0x53: {  	_ =	shalt  }
0x54: {  	_ =	shalt  }
0x55: {  	_ =	shalt  }
0x56: {  	_ =	shalt  }
0x57: {  	_ =	shalt  }
0x58: {  	_ =	shalt  }
0x59: {  	_ =	shalt  }
0x5a: {  	_ =	shalt  }
0x5b: {  	_ =	shalt  }
0x5c: {  	_ =	shalt  }
0x5d: {  	_ =	shalt  }
0x5e: {  	_ =	shalt  }
0x5f: {  	_ =	shalt  }
0x60: {  	_ =	shalt  }
0x61: {  	_ =	shalt  }
0x62: {  	_ =	shalt  }
0x63: {  	_ =	shalt  }
0x64: {  	_ =	shalt  }
0x65: {  	_ =	shalt  }
0x66: {  	_ =	shalt  }
0x67: {  	_ =	shalt  }
0x68: {  	_ =	shalt  }
0x69: {  	_ =	shalt  }
0x6a: {  	_ =	shalt  }
0x6b: {  	_ =	shalt  }
0x6c: {  	_ =	shalt  }
0x6d: {  	_ =	shalt  }
0x6e: {  	_ =	shalt  }
0x6f: {  	_ =	shalt  }
0x70: {  	_ =	shalt  }
0x71: {  	_ =	shalt  }
0x72: {  	_ =	shalt  }
0x73: {  	_ =	shalt  }
0x74: {  	_ =	shalt  }
0x75: {  	_ =	shalt  }
0x76: {  	_ =	shalt  }
0x77: {  	_ =	shalt  }
0x78: {  	_ =	shalt  }
0x79: {  	_ =	shalt  }
0x7a: {  	_ =	shalt  }
0x7b: {  	_ =	shalt  }
0x7c: {  	_ =	shalt  }
0x7d: {  	_ =	shalt  }
0x7e: {  	_ =	shalt  }
0x7f: {  	_ =	shalt  }
0x80: {  	_ =	shalt  }
0x81: {  	_ =	shalt  }
0x82: {  	_ =	shalt  }
0x83: {  	_ =	shalt  }
0x84: {  	_ =	shalt  }
0x85: {  	_ =	shalt  }
0x86: {  	_ =	shalt  }
0x87: {  	_ =	shalt  }
.Lfunc_end0:
.L_simem_size_0:
called_computation_lowered:
.L_overlay_start_0:
0x88: {  	s2 =	sld [smem:$0x3FD9]  }
0x89: {  	s3 =	sld [smem:$0x3FFE];
	_ =	sdelay $0x1  }
0x8a: {  	s1 =	srdreg.scid  }
0x8b: {  	s0 =	sand.u32 $0x1, s1  }
0x8c: {  	s16 =	sshll.u32 s0, $0xA;
	s2 =	sadd.s32 s3, s2  }
0x8d: {  	s2 =	sadd.s32 s2, s16  }
0x8e: {  	[smem:$0x3FC4] =	sst s2  }
0x8f: {  	_ = 	snop  }
0x90: {  	(tm) =	ssettm $0x1  }
0x91: {  	s17 =	sld [smem:$0x3FFB];
	_ =	sdelay $0x3  }
0x92: {  	_ =	strace s17  }
0x93: {  	s2 =	sld [smem:$0x3FFC];
	_ =	sdelay $0x3  }
0x94: {  	_ =	strace s2  }
0x95: {  	s2 =	sld [smem:$0x3FFD];
	_ =	sdelay $0x3  }
0x96: {  	_ =	strace s2  }
0x97: {  	_ =	strace $0x8FFFFFFF  }
0x98: {  	s18 =	sld [smem:$0x3FDB];
	_ =	sdelay $0x1  }
0x99: {  	s19 =	simm.s32 $_scs_section_size  }
0x9a: {  	s4 =	simm.s32 $_size__tile_overlayer_lowered;
	s5 =	simm.s32 $_tile_overlayer_lowered  }
0x9b: {  	s22 =	simm.s32 $0x1BFF;
	s21 =	sshll.u32 s5, $0x1;
	s2 =	sadd.s32 s19, s18  }
0x9c: {  	s6 =	simm.s32 $0x0;
	s20 =	sshll.u32 s4, $0x1;
	s4 =	sadd.s32 s21, s2  }
0x9d: {  	[timem:s6], [sflag:s22] =	dma.local [hbm:s4], s20  }
0x9e: {  	_ =	swait.ge [sflag:s22], s20  }
0x9f: {  	s3 =	ssub.s32 $0x0, s20;
	[sflag:s22] =	ssyncset.done $0x0  }
0xa0: {  	[sflag:s22] =	ssyncadd.s32 s3;
	_ =	sdelay $0x1  }
0xa1: {  	s23 =	simm.s32 $0x1B8B  }
0xa2: {  	_ =	swait.ge [sflag:s23], $0x1  }
0xa3: {  	[sflag:s23] =	ssyncset.done $0x0  }
0xa4: {  	s25 =	simm.s32 $0x1B8E;
	s24 =	sld [smem:$0x3FFE];
	[sflag:s23] =	ssyncadd.s32 $0xFFFFFFFF  }
0xa5: {  	s26 =	simm.s32 $execute0_lowered;
	[smem:$0x3FD2] =	sst s25  }
0xa6: {  	s4 =	sshll.u32 s26, $0x1;
	_ =	strace $0x80000046;
	[dreg:$0x1] =	wrdreg $0xFFFFFFFF  }
0xa7: {  	s28 =	simm.s32 $_size_execute0_lowered;
	s2 =	sadd.s32 s2, s4;
	[dreg:$0x0] =	wrdreg $0x0  }
0xa8: {  	s4 =	sshll.u32 s28, $0x1;
	[dreg:$0x2] =	wrdreg s2  }
0xa9: {  	[dreg:$0x3] =	wrdreg s4  }
0xaa: {  	[dreg:$0x4] =	wrdreg $0xC0  }
0xab: {  	_ =	task [dreg:s6], $0x5FFFF  }
0xac: {  	[dreg:$0x1] =	wrdreg $0xFFFFFFFF  }
0xad: {  	[dreg:$0x0] =	wrdreg $0x60  }
0xae: {  	[dreg:$0x2] =	wrdreg s24  }
0xaf: {  	[dreg:$0x3] =	wrdreg $0x0  }
0xb0: {  	[dreg:$0x4] =	wrdreg $0x9  }
0xb1: {  	_ =	task.clear_ibuf [dreg:s6], $0x5FFFF;
	_ =	strace $0x90000046  }
0xb2: {  	s29 =	simm.s32 $0x9;
	_ =	strace $0x80000048  }
0xb3: {  	_ =	swait.ge [sflag:s29], $0x1  }
0xb4: {  	[sflag:s29] =	ssyncadd.s32 $0xFFFFFFFF  }
0xb5: {  	_ =	strace $0x90000048  }
0xb6: {  	_ =	sfence  }
0xb7: {  	s30 =	sld [smem:$0x0];
	_ =	sdelay $0x2  }
0xb8: {  	s31 =	sshll.u32 s1, $0xD;
	s1 =	sshrl.u32 s1, $0x2  }
0xb9: {  	s3 =	sand.u32 $0x4000, s31;
	s1 =	sadd.s32 s1, s30  }
0xba: {  	s0 =	sor.u32 s3, s0;
	s1 =	sshll.u32 s1, $0x11  }
0xbb: {  	s0 =	sor.u32 s1, s0  }
0xbc: {  	s0 =	sadd.s32 $0x8F2B, s0  }
0xbd: {  	[sflag:s0] =	ssyncadd.remote.s32 $0x1  }
0xbe: {  	_ =	sfence.sel $0xFFFF  }
0xbf: {  	[dreg:$0x0] =	wrdreg $0xFFFFFFFF;
	(pc) =	sbr.abs _section_cstart, $3  }
0xc0: {  	[dreg:$0x1] =	wrdreg $0xFFFFFFFF  }
0xc1: {  	_ =	task.clear_ibuf [dreg:s6], $0x2FFFF;
	_ =	strace $0x9FFFFFFF  }
0xc2: {  	(tm) =	ssettm $0x7FFFFFFF  }
0xc3: {  	_ =	shalt  }
tec
execute0_lowered:
.L_overlay_start_1:
0x0: {  	(tag) =	ssettag $0x1  }
0x1: {  	s0 =	srdreg.scid;
	s1 =	rddreg [dreg:$0x0]  }
0x2: {  	s14 =	stileid.u32;
	s2 =	rddreg [dreg:$0x1]  }
0x3: {  	s0 =	sand.u32 $0x1, s0;
	s3 =	sshll.u32 s14, $0x1;
	s6 =	smul.u32 $0x92A0, s14  }
0x4: {  	s10 =	sadd.s32 $0x12E00, s1;
	s12 =	sadd.s32 $0x17800, s1;
	s23 =	smul.u32 $0xC38, s14  }
0x5: {  	s24 =	sadd.s32 $0x3578, s1;
	s25 =	sadd.s32 $0x664C, s1;
	s26 =	sadd.s32 $0x9720, s1  }
0x6: {  	s19 =	sadd.s32 $0x144E9, s1;
	s20 =	sadd.s32 $0x15D53, s1;
	s7 =	sor.u32 s0, s3  }
0x7: {  	s3 =	simm.s32 $0x0;
	s9 =	ssub.s32 $0x2, s0;
	p4 =	seq.s32 s0, $0x1  }
0x8: {  	s4 =	smul.u32 $0xC40, s7;
	[smem:$0x7FF] =	sst s3;
	s11 =	sshrl.u32 s9, $0x1  }
0x9: {  	s6 =	sshrl.u32 s6, $0x2;
	_ =	strace $0x80000047;
	[dreg:$0x6] =	wrdreg s24  }
0xa: {  	s13 =	sadd.s32 s23, s2;
	p0 =	seq.s32 s7, $0x1F;
	[dreg:$0x7] =	wrdreg s25  }
0xb: {  	p2 =	seq.s32 @p4 s14, $0xF;
	p5 =	seq.s32 @!p4 s14, $0xF;
	[dreg:$0x8] =	wrdreg s26  }
0xc: {  	s7 =	simm.s32 $0x80;
	s14 =	simm.s32 $0x1;
	[dreg:$0xc] =	wrdreg s19  }
0xd: {  	s9 =	ssub.s32 s9, s11;
	s6 =	sadd.s32 s6, s2;
	[dreg:$0xd] =	wrdreg s20  }
0xe: {  	s24 =	sadd.s32 $0x18EE9, s1;
	s25 =	sadd.s32 $0x1A753, s1;
	s26 =	sadd.s32 $0x1BFBD, s1  }
0xf: {  	p1 =	por !p2, !p4;
	p2 =	por p2, !p4;
	p3 =	por !p5, p4  }
0x10: {  	p4 =	por p5, p4;
	s30 =	sadd.s32 $0xC380, s13;
	[dreg:$0x12] =	wrdreg s24  }
0x11: {  	s31 =	sadd.s32 $0x18700, s13;
	s5 =	sshrl.u32 s4, $0x3;
	[dreg:$0x13] =	wrdreg s25  }
0x12: {  	s11 =	simm.s32 $0x76A8;
	[dreg:$0x14] =	wrdreg s26;
	s8 =	sadd.s32 s5, s1  }
0x13: {  	s26 =	smax.u32 s9, $0x1;
	s28 =	sadd.s32 $0xC80, s6;
	s21 =	sadd.s32 $0x600, s8  }
0x14: {  	s29 =	sadd.s32 $0x1900, s6;
	s22 =	sadd.s32 $0x36D4, s8;
	[dreg:$0x3] =	wrdreg s21  }
0x15: {  	s9 =	simm.s32 $0x66A8;
	s8 =	sadd.s32 $0x67A8, s8;
	[dreg:$0x4] =	wrdreg s22  }
0x16: {  	[dreg:$0x5] =	wrdreg s8;
	s8 =	sshrl.u32 s23, $0x3;
	s23 =	sadd.s32 $0x175BD, s1  }
0x17: {  	s5 =	sadd.s32 $0x9A00, s1;
	s15 =	sadd.s32 s10, s8;
	[dreg:$0x11] =	wrdreg s23  }
0x18: {  	s16 =	sadd.s32 $0x186A, s8;
	s0 =	sadd.s32 s12, s8;
	[dreg:$0x9] =	wrdreg s15  }
0x19: {  	s17 =	sadd.s32 $0x30D4, s8;
	s18 =	sadd.s32 s10, s16;
	[dreg:$0xe] =	wrdreg s0  }
0x1a: {  	s1 =	simm.s32 $0x3128;
	s10 =	sadd.s32 s10, s17;
	[dreg:$0xa] =	wrdreg s18  }
0x1b: {  	s8 =	simm.s32 $0x56A8;
	s21 =	sadd.s32 s12, s16;
	[dreg:$0xb] =	wrdreg s10  }
0x1c: {  	s22 =	sadd.s32 s12, s17;
	s0 =	simm.s32 $0x2;
	[dreg:$0xf] =	wrdreg s21  }
0x1d: {  	v0 =	vimm.f32 $0.0e+00;
	v1 =	vimm.s32 $0x0;
	s12 =	simm.s32 $0x4A28;
	[dreg:$0x10] =	wrdreg s22;
	s10 =	simm.s32 $0x3DA8  }
.LBB2_1:
0x1e: {  	s16 =	simm.s32 $0x40;
	s15 =	simm.s32 $0x0  }
.LBB2_2:
0x1f: {  	p5 =	sne.s32 s16, $0x31C0;
	[tilespmem:s15+$0x24A8] =	vst v1;
	s17 =	smov.u32 s16;
	s16 =	sadd.s32 $0x40, s16  }
.Ltmp0:
0x20: {  	[tilespmem:s15+$0x4A28] =	vst v0;
	(pc) =	sbr.rel @p5 .LBB2_2-.Ltmp0, $3  }
0x21: {  	[tilespmem:s15+$0x3128] =	vst v0  }
0x22: {  	[tilespmem:s15+$0x3DA8] =	vst v0;
	_ =	sdelay $0x1  }
0x23: {  	s15 =	sshra.s32 s17, $0x2  }
0x24: {  	[tilespmem:s15+$0x24A8] =	vst v1  }
0x25: {  	[tilespmem:s15+$0x4A28] =	vst v0  }
0x26: {  	[tilespmem:s15+$0x3128] =	vst v0  }
0x27: {  	[tilespmem:s15+$0x3DA8] =	vst v0  }
0x28: {  	[spmem:s6] =	stream.linear.scatter [tilespmem:s1], [sflag:$0x2], $0xC80, $0x38;
	[tilespmem:$0x9328] =	vst v63  }
0x29: {  	_ =	swait.ge [sflag:s0], $0xC80  }
0x2a: {  	[sflag:s0] =	ssyncset.done $0x0  }
0x2b: {  	[sflag:s0] =	ssyncadd.s32 $0xFFFFF380  }
0x2c: {  	[spmem:s28] =	stream.linear.scatter [tilespmem:s1], [sflag:$0x2], $0xC80, $0x38;
	[tilespmem:$0x9328] =	vst v63  }
0x2d: {  	_ =	swait.ge [sflag:s0], $0xC80  }
0x2e: {  	[sflag:s0] =	ssyncset.done $0x0  }
0x2f: {  	[sflag:s0] =	ssyncadd.s32 $0xFFFFF380  }
0x30: {  	[spmem:s29] =	stream.linear.scatter [tilespmem:s1], [sflag:$0x2], $0xBA8, $0x38;
	[tilespmem:$0x9328] =	vst v63  }
0x31: {  	_ =	swait.ge [sflag:s0], $0xBA8  }
0x32: {  	s15 =	simm.s32 @p0 $0x0;
	[sflag:s0] =	ssyncset.done $0x0  }
0x33: {  	s16 =	simm.s32 @p0 $0x3128;
	s17 =	rddreg [dreg:$0x6];
	[sflag:s0] =	ssyncadd.s32 $0xFFFFF458  }
0x34: {  	[tilespmem:s16], [sflag:$0x2] =	stream.linear.gather @p0 [hbm4b:s17+s15], $0xAE0, $0x38;
	[tilespmem:$0x9328] =	vst v63  }
0x35: {  	s16 =	simm.s32 @p0 $0x2  }
0x36: {  	_ =	swait.ge @p0 [sflag:s16], $0xAE0  }
0x37: {  	[sflag:s16] =	ssyncset.done @p0 $0x0  }
0x38: {  	s17 =	simm.s32 @p0 $0x3DA8;
	s18 =	rddreg [dreg:$0x7];
	[sflag:s16] =	ssyncadd.s32 @p0 $0xFFFFF520  }
0x39: {  	[tilespmem:s17], [sflag:$0x2] =	stream.linear.gather @p0 [hbm4b:s18+s15], $0xAE0, $0x38;
	[tilespmem:$0x9328] =	vst v63  }
0x3a: {  	_ =	swait.ge @p0 [sflag:s16], $0xAE0  }
0x3b: {  	[sflag:s16] =	ssyncset.done @p0 $0x0  }
0x3c: {  	s17 =	simm.s32 @p0 $0x4A28;
	s18 =	rddreg [dreg:$0x8];
	[sflag:s16] =	ssyncadd.s32 @p0 $0xFFFFF520  }
0x3d: {  	[tilespmem:s17], [sflag:$0x2] =	stream.linear.gather @p0 [hbm4b:s18+s15], $0xAE0, $0x38;
	[tilespmem:$0x9328] =	vst v63  }
0x3e: {  	_ =	swait.ge @p0 [sflag:s16], $0xAE0  }
0x3f: {  	s17 =	simm.s32 @!p0 $0x0;
	[sflag:s16] =	ssyncset.done @p0 $0x0  }
0x40: {  	s18 =	simm.s32 @!p0 $0x3128;
	s19 =	rddreg [dreg:$0x3];
	[sflag:s16] =	ssyncadd.s32 @p0 $0xFFFFF520  }
0x41: {  	[tilespmem:s18], [sflag:$0x2] =	stream.linear.gather @!p0 [hbm4b:s19+s17], $0xC40, $0x38;
	[tilespmem:$0x9328] =	vst v63  }
0x42: {  	s18 =	simm.s32 @!p0 $0x2  }
0x43: {  	_ =	swait.ge @!p0 [sflag:s18], $0xC40  }
0x44: {  	[sflag:s18] =	ssyncset.done @!p0 $0x0  }
0x45: {  	s19 =	simm.s32 @!p0 $0x3DA8;
	s20 =	rddreg [dreg:$0x4];
	[sflag:s18] =	ssyncadd.s32 @!p0 $0xFFFFF3C0  }
0x46: {  	[tilespmem:s19], [sflag:$0x2] =	stream.linear.gather @!p0 [hbm4b:s20+s17], $0xC40, $0x38;
	[tilespmem:$0x9328] =	vst v63  }
0x47: {  	_ =	swait.ge @!p0 [sflag:s18], $0xC40  }
0x48: {  	[sflag:s18] =	ssyncset.done @!p0 $0x0  }
0x49: {  	s19 =	simm.s32 @!p0 $0x4A28;
	s20 =	rddreg [dreg:$0x5];
	[sflag:s18] =	ssyncadd.s32 @!p0 $0xFFFFF3C0  }
0x4a: {  	[tilespmem:s19], [sflag:$0x2] =	stream.linear.gather @!p0 [hbm4b:s20+s17], $0xC40, $0x38;
	[tilespmem:$0x9328] =	vst v63  }
0x4b: {  	_ =	swait.ge @!p0 [sflag:s18], $0xC40  }
0x4c: {  	[sflag:s18] =	ssyncset.done @!p0 $0x0  }
0x4d: {  	[sflag:s18] =	ssyncadd.s32 @!p0 $0xFFFFF3C0  }
0x4e: {  	s19 =	simm.s32 $0x0;
	[bflag:$0x0] =	sbarrier.arrive $0xFFFF  }
.LBB2_4:
0x4f: {  	s20 =	smul.u32 $0x186A0, s19;
	_ =	sdelay $0x1  }
0x50: {  	s20 =	sadd.s32 s4, s20  }
0x51: {  	s20 =	sshrl.u32 s20, $0x3  }
0x52: {  	s21 =	simm.s32 @p0 $0x24A8;
	s20 =	sadd.s32 s5, s20  }
0x53: {  	[tilespmem:s21], [sflag:$0x2] =	stream.linear.gather @p0 [hbm4b:s20+s15], $0xAE0, $0x38;
	[tilespmem:$0x9328] =	vst v63  }
0x54: {  	_ =	swait.ge @p0 [sflag:s16], $0xAE0  }
0x55: {  	[sflag:s16] =	ssyncset.done @p0 $0x0  }
0x56: {  	s21 =	simm.s32 @!p0 $0x24A8;
	[sflag:s16] =	ssyncadd.s32 @p0 $0xFFFFF520  }
0x57: {  	[tilespmem:s21], [sflag:$0x2] =	stream.linear.gather @!p0 [hbm4b:s20+s17], $0xC40, $0x38;
	[tilespmem:$0x9328] =	vst v63  }
0x58: {  	_ =	swait.ge @!p0 [sflag:s18], $0xC40  }
0x59: {  	[sflag:s18] =	ssyncset.done @!p0 $0x0  }
0x5a: {  	s20 =	simm.s32 $0x0;
	[sflag:s18] =	ssyncadd.s32 @!p0 $0xFFFFF3C0  }
0x5b: {  	v7 =	vld [tilespmem:s20+$0x2518]  }
0x5c: {  	v8 =	vld [tilespmem:s20+$0x24A8]  }
0x5d: {  	v9 =	vld [tilespmem:s20+$0x24B8];
	_ =	sdelay $0x2  }
0x5e: {  	[tilespmem:s20+$0x5718] =	vst v7  }
0x5f: {  	[tilespmem:s20+$0x56A8] =	vst v8  }
0x60: {  	v4 =	vld [tilespmem:s20+$0x24C8];
	v6 =	vadd.s32 $0x18700, v7;
	[tilespmem:s20+$0x56B8] =	vst v9  }
0x61: {  	v10 =	vadd.s32 $0xC380, v8;
	[tilespmem:s20+$0x7718] =	vst v6  }
0x62: {  	v2 =	vld [tilespmem:s20+$0x24D8];
	v52 =	vadd.s32 $0x18700, v8;
	[tilespmem:s20+$0x66A8] =	vst v10  }
0x63: {  	v11 =	vadd.s32 $0xC380, v9;
	[tilespmem:s20+$0x76A8] =	vst v52  }
0x64: {  	v3 =	vld [tilespmem:s20+$0x24E8];
	v53 =	vadd.s32 $0x18700, v9;
	[tilespmem:s20+$0x66B8] =	vst v11  }
0x65: {  	v54 =	vadd.s32 $0xC380, v4;
	[tilespmem:s20+$0x76B8] =	vst v53  }
0x66: {  	v5 =	vld [tilespmem:s20+$0x24F8];
	v55 =	vadd.s32 $0x18700, v4;
	[tilespmem:s20+$0x66C8] =	vst v54  }
0x67: {  	v56 =	vadd.s32 $0xC380, v2;
	[tilespmem:s20+$0x76C8] =	vst v55  }
0x68: {  	v57 =	vadd.s32 $0x18700, v2;
	[tilespmem:s20+$0x66D8] =	vst v56  }
0x69: {  	v58 =	vadd.s32 $0xC380, v3;
	v6 =	vld [tilespmem:s20+$0x2508];
	[tilespmem:s20+$0x76D8] =	vst v57  }
0x6a: {  	v59 =	vadd.s32 $0x18700, v3;
	[tilespmem:s20+$0x66E8] =	vst v58  }
0x6b: {  	v60 =	vadd.s32 $0xC380, v5;
	[tilespmem:s20+$0x76E8] =	vst v59  }
0x6c: {  	v61 =	vadd.s32 $0x18700, v5;
	[tilespmem:s20+$0x66F8] =	vst v60  }
0x6d: {  	v7 =	vadd.s32 $0xC380, v7;
	[tilespmem:s20+$0x76F8] =	vst v61  }
0x6e: {  	[tilespmem:s20+$0x6718] =	vst v7;
	v62 =	vadd.s32 $0xC380, v6  }
0x6f: {  	v63 =	vadd.s32 $0x18700, v6;
	[tilespmem:s20+$0x6708] =	vst v62  }
0x70: {  	s22 =	simm.s32 $0x80;
	s21 =	simm.s32 $0x400;
	[tilespmem:s20+$0x7708] =	vst v63  }
.LBB2_5:
0x71: {  	p5 =	sne.s32 s21, $0x3000;
	v7 =	vld [tilespmem:s22+$0x2518];
	[tilespmem:s20+$0x56C8] =	vst v4  }
0x72: {  	v8 =	vld [tilespmem:s22+$0x24A8];
	[tilespmem:s20+$0x56D8] =	vst v2  }
0x73: {  	v9 =	vld [tilespmem:s22+$0x24B8];
	[tilespmem:s20+$0x56E8] =	vst v3  }
0x74: {  	v4 =	vld [tilespmem:s22+$0x24C8];
	[tilespmem:s20+$0x56F8] =	vst v5  }
0x75: {  	v2 =	vld [tilespmem:s22+$0x24D8];
	[tilespmem:s20+$0x5708] =	vst v6;
	s20 =	smov.u32 s22  }
0x76: {  	v3 =	vld [tilespmem:s20+$0x24E8];
	[tilespmem:s20+$0x5718] =	vst v7;
	v10 =	vadd.s32 $0xC380, v7;
	v6 =	vadd.s32 $0x18700, v7  }
0x77: {  	v7 =	vadd.s32 $0xC380, v8;
	v11 =	vadd.s32 $0x18700, v8;
	v5 =	vld [tilespmem:s20+$0x24F8];
	[tilespmem:s20+$0x7718] =	vst v6  }
0x78: {  	[tilespmem:s20+$0x66A8] =	vst v7;
	v7 =	vadd.s32 $0xC380, v9;
	v12 =	vadd.s32 $0x18700, v9;
	v6 =	vld [tilespmem:s20+$0x2508]  }
0x79: {  	[tilespmem:s20+$0x76A8] =	vst v11;
	v11 =	vadd.s32 $0xC380, v4;
	v13 =	vadd.s32 $0x18700, v4  }
0x7a: {  	[tilespmem:s20+$0x66B8] =	vst v7;
	v7 =	vadd.s32 $0xC380, v2;
	v14 =	vadd.s32 $0x18700, v2  }
0x7b: {  	[tilespmem:s20+$0x76B8] =	vst v12;
	v12 =	vadd.s32 $0xC380, v3;
	v15 =	vadd.s32 $0x18700, v3  }
0x7c: {  	[tilespmem:s20+$0x66C8] =	vst v11;
	v11 =	vadd.s32 $0xC380, v5;
	v16 =	vadd.s32 $0x18700, v5  }
0x7d: {  	[tilespmem:s20+$0x76C8] =	vst v13;
	v13 =	vadd.s32 $0xC380, v6;
	v17 =	vadd.s32 $0x18700, v6  }
0x7e: {  	[tilespmem:s20+$0x66D8] =	vst v7  }
0x7f: {  	[tilespmem:s20+$0x76D8] =	vst v14  }
0x80: {  	[tilespmem:s20+$0x66E8] =	vst v12  }
0x81: {  	[tilespmem:s20+$0x76E8] =	vst v15  }
0x82: {  	[tilespmem:s20+$0x66F8] =	vst v11  }
0x83: {  	[tilespmem:s20+$0x76F8] =	vst v16  }
.Ltmp1:
0x84: {  	[tilespmem:s20+$0x6708] =	vst v13;
	(pc) =	sbr.rel @p5 .LBB2_5-.Ltmp1, $4  }
0x85: {  	[tilespmem:s20+$0x7708] =	vst v17  }
0x86: {  	[tilespmem:s20+$0x6718] =	vst v10  }
0x87: {  	[tilespmem:s20+$0x56A8] =	vst v8  }
0x88: {  	s22 =	sshra.s32 s21, $0x2;
	s21 =	sadd.s32 $0x200, s21;
	[tilespmem:s20+$0x56B8] =	vst v9  }
0x89: {  	v7 =	vld [tilespmem:s22+$0x2518];
	[tilespmem:s20+$0x56C8] =	vst v4  }
0x8a: {  	v4 =	vld [tilespmem:s22+$0x24A8];
	[tilespmem:s20+$0x56D8] =	vst v2  }
0x8b: {  	v2 =	vld [tilespmem:s22+$0x24B8];
	[tilespmem:s20+$0x56E8] =	vst v3  }
0x8c: {  	v3 =	vld [tilespmem:s22+$0x24C8];
	[tilespmem:s20+$0x56F8] =	vst v5  }
0x8d: {  	v5 =	vld [tilespmem:s22+$0x24D8];
	[tilespmem:s20+$0x5708] =	vst v6  }
0x8e: {  	[tilespmem:s22+$0x5718] =	vst v7;
	v8 =	vadd.s32 $0x18700, v7  }
0x8f: {  	v7 =	vadd.s32 $0xC380, v7;
	[tilespmem:s22+$0x7718] =	vst v8  }
0x90: {  	[tilespmem:s22+$0x6718] =	vst v7  }
0x91: {  	v10 =	vadd.s32 $0xC380, v4;
	[tilespmem:s22+$0x56A8] =	vst v4  }
0x92: {  	v51 =	vadd.s32 $0x18700, v4;
	[tilespmem:s22+$0x66A8] =	vst v10  }
0x93: {  	[tilespmem:s22+$0x76A8] =	vst v51  }
0x94: {  	v11 =	vadd.s32 $0xC380, v2;
	[tilespmem:s22+$0x56B8] =	vst v2  }
0x95: {  	v53 =	vadd.s32 $0x18700, v2;
	[tilespmem:s22+$0x66B8] =	vst v11  }
0x96: {  	[tilespmem:s22+$0x76B8] =	vst v53  }
0x97: {  	v54 =	vadd.s32 $0xC380, v3;
	[tilespmem:s22+$0x56C8] =	vst v3  }
0x98: {  	v6 =	vld [tilespmem:s22+$0x24E8];
	v55 =	vadd.s32 $0x18700, v3;
	[tilespmem:s22+$0x66C8] =	vst v54  }
0x99: {  	v9 =	vld [tilespmem:s22+$0x24F8];
	[tilespmem:s22+$0x76C8] =	vst v55  }
0x9a: {  	v52 =	vld [tilespmem:s22+$0x2508];
	v56 =	vadd.s32 $0xC380, v5;
	[tilespmem:s22+$0x56D8] =	vst v5  }
0x9b: {  	v57 =	vadd.s32 $0x18700, v5;
	[tilespmem:s22+$0x66D8] =	vst v56  }
0x9c: {  	[tilespmem:s22+$0x76D8] =	vst v57  }
0x9d: {  	[tilespmem:s22+$0x56E8] =	vst v6  }
0x9e: {  	[tilespmem:s22+$0x56F8] =	vst v9  }
0x9f: {  	v58 =	vadd.s32 $0xC380, v6;
	[tilespmem:s22+$0x5708] =	vst v52  }
0xa0: {  	v59 =	vadd.s32 $0x18700, v6;
	[tilespmem:s22+$0x66E8] =	vst v58  }
0xa1: {  	v60 =	vadd.s32 $0xC380, v9;
	[tilespmem:s22+$0x76E8] =	vst v59  }
0xa2: {  	v61 =	vadd.s32 $0x18700, v9;
	[tilespmem:s22+$0x66F8] =	vst v60  }
0xa3: {  	v62 =	vadd.s32 $0xC380, v52;
	[tilespmem:s22+$0x76F8] =	vst v61  }
0xa4: {  	v63 =	vadd.s32 $0x18700, v52;
	[tilespmem:s22+$0x6708] =	vst v62  }
0xa5: {  	[tilespmem:s22+$0x7708] =	vst v63  }
0xa6: {  	[spmem:s2] =	stream.indirect.scatter.add.f32 [tilespmem:s1], [sflag:$0x1], $0x1, s8, s7, $0xb8;
	[tilespmem:$0x9328] =	vst v63  }
0xa7: {  	_ = 	snop  }
0xa8: {  	[spmem:s2] =	stream.indirect.scatter.add.f32 [tilespmem:s10], [sflag:$0x1], $0x1, s9, s7, $0xb8;
	[tilespmem:$0x9328] =	vst v63  }
0xa9: {  	_ = 	snop  }
0xaa: {  	[spmem:s2] =	stream.indirect.scatter.add.f32 [tilespmem:s12], [sflag:$0x1], $0x1, s11, s7, $0xb8;
	[tilespmem:$0x9328] =	vst v63  }
0xab: {  	s25 =	simm.s32 $0x31A8;
	s21 =	simm.s32 $0x5728  }
0xac: {  	[spmem:s2] =	stream.indirect.scatter.add.f32 [tilespmem:s25], [sflag:$0x1], $0x1, s21, s7, $0xb8;
	[tilespmem:$0x9328] =	vst v63  }
0xad: {  	s23 =	simm.s32 $0x6728;
	s22 =	simm.s32 $0x3E28  }
0xae: {  	[spmem:s2] =	stream.indirect.scatter.add.f32 [tilespmem:s22], [sflag:$0x1], $0x1, s23, s7, $0xb8;
	[tilespmem:$0x9328] =	vst v63  }
0xaf: {  	s24 =	simm.s32 $0x4AA8;
	s25 =	simm.s32 $0x7728  }
0xb0: {  	[spmem:s2] =	stream.indirect.scatter.add.f32 [tilespmem:s24], [sflag:$0x1], $0x1, s25, s7, $0xb8;
	[tilespmem:$0x9328] =	vst v63  }
0xb1: {  	_ =	swait.ge [sflag:s14], $0x80  }
0xb2: {  	[sflag:s14] =	ssyncset.done $0x0  }
0xb3: {  	[sflag:s14] =	ssyncadd.s32 $0xFFFFFF80  }
0xb4: {  	_ =	swait.ge [sflag:s14], $0x80  }
0xb5: {  	[sflag:s14] =	ssyncset.done $0x0  }
0xb6: {  	[sflag:s14] =	ssyncadd.s32 $0xFFFFFF80  }
0xb7: {  	_ =	swait.ge [sflag:s14], $0x80  }
0xb8: {  	s20 =	simm.s32 $0x100;
	s21 =	simm.s32 $0x600;
	[sflag:s14] =	ssyncset.done $0x0  }
.LBB2_7:
0xb9: {  	s22 =	sadd.s32 $0x3128, s20  }
0xba: {  	s23 =	sadd.s32 $0x56A8, s20;
	[sflag:s14] =	ssyncadd.s32 $0xFFFFFF80;
	s24 =	smov.u32 s21  }
0xbb: {  	[spmem:s2] =	stream.indirect.scatter.add.f32 [tilespmem:s22], [sflag:$0x1], $0x1, s23, s7, $0xb8;
	[tilespmem:$0x9328] =	vst v63  }
0xbc: {  	s25 =	sadd.s32 $0x66A8, s20;
	s22 =	sadd.s32 $0x200, s21;
	s23 =	sadd.s32 $0x3DA8, s20  }
0xbd: {  	[spmem:s2] =	stream.indirect.scatter.add.f32 [tilespmem:s23], [sflag:$0x1], $0x1, s25, s7, $0xb8;
	[tilespmem:$0x9328] =	vst v63  }
0xbe: {  	p5 =	sne.s32 s21, $0x3000;
	s21 =	sadd.s32 $0x4A28, s20;
	s20 =	sadd.s32 $0x76A8, s20  }
0xbf: {  	[spmem:s2] =	stream.indirect.scatter.add.f32 [tilespmem:s21], [sflag:$0x1], $0x1, s20, s7, $0xb8;
	[tilespmem:$0x9328] =	vst v63  }
0xc0: {  	_ =	swait.ge [sflag:s14], $0x80  }
0xc1: {  	[sflag:s14] =	ssyncset.done $0x0  }
0xc2: {  	[sflag:s14] =	ssyncadd.s32 $0xFFFFFF80  }
.Ltmp2:
0xc3: {  	_ =	swait.ge [sflag:s14], $0x80;
	(pc) =	sbr.rel @p5 .LBB2_7-.Ltmp2, $4  }
0xc4: {  	[sflag:s14] =	ssyncset.done $0x0  }
0xc5: {  	[sflag:s14] =	ssyncadd.s32 $0xFFFFFF80  }
0xc6: {  	_ =	swait.ge [sflag:s14], $0x80  }
0xc7: {  	s20 =	sshra.s32 s24, $0x2;
	s21 =	smov.u32 s22;
	[sflag:s14] =	ssyncset.done $0x0  }
0xc8: {  	s21 =	sadd.s32 $0x3128, s20;
	s22 =	sadd.s32 $0x56A8, s20;
	[sflag:s14] =	ssyncadd.s32 $0xFFFFFF80  }
0xc9: {  	[spmem:s2] =	stream.indirect.scatter.add.f32 [tilespmem:s21], [sflag:$0x1], $0x1, s22, s7, $0xb8;
	[tilespmem:$0x9328] =	vst v63  }
0xca: {  	s23 =	sadd.s32 $0x66A8, s20;
	s22 =	sadd.s32 $0x3DA8, s20  }
0xcb: {  	[spmem:s2] =	stream.indirect.scatter.add.f32 [tilespmem:s22], [sflag:$0x1], $0x1, s23, s7, $0xb8;
	[tilespmem:$0x9328] =	vst v63  }
0xcc: {  	s24 =	sadd.s32 $0x4A28, s20;
	s25 =	sadd.s32 $0x76A8, s20  }
0xcd: {  	[spmem:s2] =	stream.indirect.scatter.add.f32 [tilespmem:s24], [sflag:$0x1], $0x1, s25, s7, $0xb8;
	[tilespmem:$0x9328] =	vst v63  }
0xce: {  	_ =	swait.ge [sflag:s14], $0x80  }
0xcf: {  	[sflag:s14] =	ssyncset.done $0x0  }
0xd0: {  	[sflag:s14] =	ssyncadd.s32 $0xFFFFFF80  }
0xd1: {  	_ =	swait.ge [sflag:s14], $0x80  }
0xd2: {  	[sflag:s14] =	ssyncset.done $0x0  }
0xd3: {  	[sflag:s14] =	ssyncadd.s32 $0xFFFFFF80  }
0xd4: {  	_ =	swait.ge [sflag:s14], $0x80  }
0xd5: {  	[sflag:s14] =	ssyncset.done $0x0  }
0xd6: {  	[sflag:s14] =	ssyncadd.s32 $0xFFFFFF80  }
0xd7: {  	_ =	swait.ge [sflag:s14], $0x80  }
0xd8: {  	[sflag:s14] =	ssyncset.done $0x0  }
0xd9: {  	s19 =	sadd.s32 $0x1, s19;
	[sflag:s14] =	ssyncadd.s32 $0xFFFFFF80  }
0xda: {  	p5 =	sne.s32 s19, $0x3;
	_ =	swait.ge [sflag:s14], $0x80  }
.Ltmp3:
0xdb: {  	[sflag:s14] =	ssyncset.done $0x0;
	(pc) =	sbr.rel @p5 .LBB2_4-.Ltmp3, $4  }
0xdc: {  	[sflag:s14] =	ssyncadd.s32 $0xFFFFFF80  }
0xdd: {  	_ =	swait.ge [sflag:s14], $0x80  }
0xde: {  	[sflag:s14] =	ssyncset.done $0x0  }
0xdf: {  	[sflag:s14] =	ssyncadd.s32 $0xFFFFFF80  }
0xe0: {  	[bflag:$0x0] =	sbarrier.arrive $0xFFFF;
	s15 =	simm.s32 @!p1 $0x86A8;
	s16 =	simm.s32 @!p1 $0x2  }
0xe1: {  	[tilespmem:s15], [sflag:$0x2] =	stream.linear.gather @!p1 [spmem:s13], $0xC08, $0x38;
	[tilespmem:$0x9328] =	vst v63  }
0xe2: {  	_ =	swait.ge @!p1 [sflag:s16], $0xC08  }
0xe3: {  	[sflag:s16] =	ssyncset.done @!p1 $0x0  }
0xe4: {  	s17 =	simm.s32 @!p1 $0x0;
	s18 =	rddreg [dreg:$0x12];
	[sflag:s16] =	ssyncadd.s32 @!p1 $0xFFFFF3F8  }
0xe5: {  	[hbm4b:s18+s17] =	stream.linear.scatter @!p1 [tilespmem:s15], [sflag:$0x2], $0xC08, $0x38;
	[tilespmem:$0x9328] =	vst v63  }
0xe6: {  	_ =	swait.ge @!p1 [sflag:s16], $0xC08  }
0xe7: {  	[sflag:s16] =	ssyncset.done @!p1 $0x0  }
0xe8: {  	[sflag:s16] =	ssyncadd.s32 @!p1 $0xFFFFF3F8  }
0xe9: {  	[tilespmem:s15], [sflag:$0x2] =	stream.linear.gather @!p1 [spmem:s30], $0xC08, $0x38;
	[tilespmem:$0x9328] =	vst v63  }
0xea: {  	_ =	swait.ge @!p1 [sflag:s16], $0xC08  }
0xeb: {  	[sflag:s16] =	ssyncset.done @!p1 $0x0  }
0xec: {  	s18 =	rddreg [dreg:$0x13];
	[sflag:s16] =	ssyncadd.s32 @!p1 $0xFFFFF3F8  }
0xed: {  	[hbm4b:s18+s17] =	stream.linear.scatter @!p1 [tilespmem:s15], [sflag:$0x2], $0xC08, $0x38;
	[tilespmem:$0x9328] =	vst v63  }
0xee: {  	_ =	swait.ge @!p1 [sflag:s16], $0xC08  }
0xef: {  	[sflag:s16] =	ssyncset.done @!p1 $0x0  }
0xf0: {  	[sflag:s16] =	ssyncadd.s32 @!p1 $0xFFFFF3F8  }
0xf1: {  	[tilespmem:s15], [sflag:$0x2] =	stream.linear.gather @!p1 [spmem:s31], $0xC08, $0x38;
	[tilespmem:$0x9328] =	vst v63  }
0xf2: {  	_ =	swait.ge @!p1 [sflag:s16], $0xC08  }
0xf3: {  	[sflag:s16] =	ssyncset.done @!p1 $0x0  }
0xf4: {  	s18 =	rddreg [dreg:$0x14];
	[sflag:s16] =	ssyncadd.s32 @!p1 $0xFFFFF3F8  }
0xf5: {  	[hbm4b:s18+s17] =	stream.linear.scatter @!p1 [tilespmem:s15], [sflag:$0x2], $0xC08, $0x38;
	[tilespmem:$0x9328] =	vst v63  }
0xf6: {  	_ =	swait.ge @!p1 [sflag:s16], $0xC08  }
0xf7: {  	[sflag:s16] =	ssyncset.done @!p1 $0x0  }
0xf8: {  	s15 =	simm.s32 @!p2 $0x86A8;
	[sflag:s16] =	ssyncadd.s32 @!p1 $0xFFFFF3F8;
	s16 =	simm.s32 @!p2 $0x2  }
0xf9: {  	[tilespmem:s15], [sflag:$0x2] =	stream.linear.gather @!p2 [spmem:s13], $0xC38, $0x38;
	[tilespmem:$0x9328] =	vst v63  }
0xfa: {  	_ =	swait.ge @!p2 [sflag:s16], $0xC38  }
0xfb: {  	[sflag:s16] =	ssyncset.done @!p2 $0x0  }
0xfc: {  	s17 =	simm.s32 @!p2 $0x0;
	s18 =	rddreg [dreg:$0xe];
	[sflag:s16] =	ssyncadd.s32 @!p2 $0xFFFFF3C8  }
0xfd: {  	[hbm4b:s18+s17] =	stream.linear.scatter @!p2 [tilespmem:s15], [sflag:$0x2], $0xC38, $0x38;
	[tilespmem:$0x9328] =	vst v63  }
0xfe: {  	_ =	swait.ge @!p2 [sflag:s16], $0xC38  }
0xff: {  	[sflag:s16] =	ssyncset.done @!p2 $0x0  }
0x100: {  	[sflag:s16] =	ssyncadd.s32 @!p2 $0xFFFFF3C8  }
0x101: {  	[tilespmem:s15], [sflag:$0x2] =	stream.linear.gather @!p2 [spmem:s30], $0xC38, $0x38;
	[tilespmem:$0x9328] =	vst v63  }
0x102: {  	_ =	swait.ge @!p2 [sflag:s16], $0xC38  }
0x103: {  	[sflag:s16] =	ssyncset.done @!p2 $0x0  }
0x104: {  	s18 =	rddreg [dreg:$0xf];
	[sflag:s16] =	ssyncadd.s32 @!p2 $0xFFFFF3C8  }
0x105: {  	[hbm4b:s18+s17] =	stream.linear.scatter @!p2 [tilespmem:s15], [sflag:$0x2], $0xC38, $0x38;
	[tilespmem:$0x9328] =	vst v63  }
0x106: {  	_ =	swait.ge @!p2 [sflag:s16], $0xC38  }
0x107: {  	[sflag:s16] =	ssyncset.done @!p2 $0x0  }
0x108: {  	[sflag:s16] =	ssyncadd.s32 @!p2 $0xFFFFF3C8  }
0x109: {  	[tilespmem:s15], [sflag:$0x2] =	stream.linear.gather @!p2 [spmem:s31], $0xC38, $0x38;
	[tilespmem:$0x9328] =	vst v63  }
0x10a: {  	_ =	swait.ge @!p2 [sflag:s16], $0xC38  }
0x10b: {  	[sflag:s16] =	ssyncset.done @!p2 $0x0  }
0x10c: {  	s18 =	rddreg [dreg:$0x10];
	[sflag:s16] =	ssyncadd.s32 @!p2 $0xFFFFF3C8  }
0x10d: {  	[hbm4b:s18+s17] =	stream.linear.scatter @!p2 [tilespmem:s15], [sflag:$0x2], $0xC38, $0x38;
	[tilespmem:$0x9328] =	vst v63  }
0x10e: {  	_ =	swait.ge @!p2 [sflag:s16], $0xC38  }
0x10f: {  	[sflag:s16] =	ssyncset.done @!p2 $0x0  }
0x110: {  	s15 =	simm.s32 @!p3 $0x86A8;
	[sflag:s16] =	ssyncadd.s32 @!p2 $0xFFFFF3C8;
	s16 =	simm.s32 @!p3 $0x2  }
0x111: {  	[tilespmem:s15], [sflag:$0x2] =	stream.linear.gather @!p3 [spmem:s13], $0xC08, $0x38;
	[tilespmem:$0x9328] =	vst v63  }
0x112: {  	_ =	swait.ge @!p3 [sflag:s16], $0xC08  }
0x113: {  	[sflag:s16] =	ssyncset.done @!p3 $0x0  }
0x114: {  	s17 =	simm.s32 @!p3 $0x0;
	s18 =	rddreg [dreg:$0xc];
	[sflag:s16] =	ssyncadd.s32 @!p3 $0xFFFFF3F8  }
0x115: {  	[hbm4b:s18+s17] =	stream.linear.scatter @!p3 [tilespmem:s15], [sflag:$0x2], $0xC08, $0x38;
	[tilespmem:$0x9328] =	vst v63  }
0x116: {  	_ =	swait.ge @!p3 [sflag:s16], $0xC08  }
0x117: {  	[sflag:s16] =	ssyncset.done @!p3 $0x0  }
0x118: {  	[sflag:s16] =	ssyncadd.s32 @!p3 $0xFFFFF3F8  }
0x119: {  	[tilespmem:s15], [sflag:$0x2] =	stream.linear.gather @!p3 [spmem:s30], $0xC08, $0x38;
	[tilespmem:$0x9328] =	vst v63  }
0x11a: {  	_ =	swait.ge @!p3 [sflag:s16], $0xC08  }
0x11b: {  	[sflag:s16] =	ssyncset.done @!p3 $0x0  }
0x11c: {  	s18 =	rddreg [dreg:$0xd];
	[sflag:s16] =	ssyncadd.s32 @!p3 $0xFFFFF3F8  }
0x11d: {  	[hbm4b:s18+s17] =	stream.linear.scatter @!p3 [tilespmem:s15], [sflag:$0x2], $0xC08, $0x38;
	[tilespmem:$0x9328] =	vst v63  }
0x11e: {  	_ =	swait.ge @!p3 [sflag:s16], $0xC08  }
0x11f: {  	[sflag:s16] =	ssyncset.done @!p3 $0x0  }
0x120: {  	[sflag:s16] =	ssyncadd.s32 @!p3 $0xFFFFF3F8  }
0x121: {  	[tilespmem:s15], [sflag:$0x2] =	stream.linear.gather @!p3 [spmem:s31], $0xC08, $0x38;
	[tilespmem:$0x9328] =	vst v63  }
0x122: {  	_ =	swait.ge @!p3 [sflag:s16], $0xC08  }
0x123: {  	[sflag:s16] =	ssyncset.done @!p3 $0x0  }
0x124: {  	s18 =	rddreg [dreg:$0x11];
	[sflag:s16] =	ssyncadd.s32 @!p3 $0xFFFFF3F8  }
0x125: {  	[hbm4b:s18+s17] =	stream.linear.scatter @!p3 [tilespmem:s15], [sflag:$0x2], $0xC08, $0x38;
	[tilespmem:$0x9328] =	vst v63  }
0x126: {  	_ =	swait.ge @!p3 [sflag:s16], $0xC08  }
0x127: {  	[sflag:s16] =	ssyncset.done @!p3 $0x0  }
0x128: {  	s15 =	simm.s32 @!p4 $0x86A8;
	[sflag:s16] =	ssyncadd.s32 @!p3 $0xFFFFF3F8;
	s16 =	simm.s32 @!p4 $0x2  }
0x129: {  	[tilespmem:s15], [sflag:$0x2] =	stream.linear.gather @!p4 [spmem:s13], $0xC38, $0x38;
	[tilespmem:$0x9328] =	vst v63  }
0x12a: {  	_ =	swait.ge @!p4 [sflag:s16], $0xC38  }
0x12b: {  	[sflag:s16] =	ssyncset.done @!p4 $0x0  }
0x12c: {  	s17 =	simm.s32 @!p4 $0x0;
	s18 =	rddreg [dreg:$0x9];
	[sflag:s16] =	ssyncadd.s32 @!p4 $0xFFFFF3C8  }
0x12d: {  	[hbm4b:s18+s17] =	stream.linear.scatter @!p4 [tilespmem:s15], [sflag:$0x2], $0xC38, $0x38;
	[tilespmem:$0x9328] =	vst v63  }
0x12e: {  	_ =	swait.ge @!p4 [sflag:s16], $0xC38  }
0x12f: {  	[sflag:s16] =	ssyncset.done @!p4 $0x0  }
0x130: {  	[sflag:s16] =	ssyncadd.s32 @!p4 $0xFFFFF3C8  }
0x131: {  	[tilespmem:s15], [sflag:$0x2] =	stream.linear.gather @!p4 [spmem:s30], $0xC38, $0x38;
	[tilespmem:$0x9328] =	vst v63  }
0x132: {  	_ =	swait.ge @!p4 [sflag:s16], $0xC38  }
0x133: {  	[sflag:s16] =	ssyncset.done @!p4 $0x0  }
0x134: {  	s18 =	rddreg [dreg:$0xa];
	[sflag:s16] =	ssyncadd.s32 @!p4 $0xFFFFF3C8  }
0x135: {  	[hbm4b:s18+s17] =	stream.linear.scatter @!p4 [tilespmem:s15], [sflag:$0x2], $0xC38, $0x38;
	[tilespmem:$0x9328] =	vst v63  }
0x136: {  	_ =	swait.ge @!p4 [sflag:s16], $0xC38  }
0x137: {  	[sflag:s16] =	ssyncset.done @!p4 $0x0  }
0x138: {  	[sflag:s16] =	ssyncadd.s32 @!p4 $0xFFFFF3C8  }
0x139: {  	[tilespmem:s15], [sflag:$0x2] =	stream.linear.gather @!p4 [spmem:s31], $0xC38, $0x38;
	[tilespmem:$0x9328] =	vst v63  }
0x13a: {  	s3 =	sadd.s32 $0x1, s3;
	_ =	swait.ge @!p4 [sflag:s16], $0xC38  }
0x13b: {  	p5 =	sne.s32 s3, s26;
	[sflag:s16] =	ssyncset.done @!p4 $0x0  }
.Ltmp4:
0x13c: {  	s18 =	rddreg [dreg:$0xb];
	[sflag:s16] =	ssyncadd.s32 @!p4 $0xFFFFF3C8;
	(pc) =	sbr.rel @p5 .LBB2_1-.Ltmp4, $4  }
0x13d: {  	[hbm4b:s18+s17] =	stream.linear.scatter @!p4 [tilespmem:s15], [sflag:$0x2], $0xC38, $0x38;
	[tilespmem:$0x9328] =	vst v63  }
0x13e: {  	_ =	swait.ge @!p4 [sflag:s16], $0xC38  }
0x13f: {  	[sflag:s16] =	ssyncset.done @!p4 $0x0  }
0x140: {  	[sflag:s16] =	ssyncadd.s32 @!p4 $0xFFFFF3C8  }
0x141: {  	_ =	sfence.sel $0x180000  }
0x142: {  	[bflag:$0x0] =	sbarrier.arrive $0xFFFF  }
0x143: {  	_ =	strace $0x90000047  }
0x144: {  	s0 =	stileid.u32;
	[bflag:$0x2] =	sbarrier.arrive $0xFFFF  }
0x145: {  	p0 =	sne.s32 s0, $0x0;
	s0 =	rddreg [dreg:$0x2]  }
0x146: {  	s0 =	sadd.s32 @!p0 $0x100000, s0  }
0x147: {  	[sflag:s0] =	ssyncadd.tile.s32 @!p0 $0x1;
	_ =	shalt  }
.Lfunc_end2:
_tile_overlayer_lowered:
.L_overlay_start_2:
0x148: {  	(tag) =	ssettag $0x2  }
0x149: {  	s0 =	rddreg [dreg:$0x0];
	s2 =	stileid.u32  }
0x14a: {  	s1 =	rddreg [dreg:$0x1];
	p0 =	sne.s32 s2, $0x0  }
0x14b: {  	s3 =	rddreg [dreg:$0x2];
	[bflag:$0x3] =	sbarrier.arrive $0xFFFF;
	s2 =	simm.s32 @!p0 $0x1C02  }
0x14c: {  	[timem:s3], [sflag:s2] =	dma.local @!p0 [hbm:s0], s1  }
0x14d: {  	s0 =	simm.s32 @!p0 $0x2  }
0x14e: {  	_ =	swait.ge @!p0 [sflag:s0], s1  }
0x14f: {  	s1 =	ssub.s32 @!p0 $0x0, s1;
	[sflag:s0] =	ssyncset.done @!p0 $0x0  }
0x150: {  	[sflag:s0] =	ssyncadd.s32 @!p0 s1  }
0x151: {  	[bflag:$0x3] =	sbarrier.arrive $0xFFFF  }
0x152: {  	_ =	shalt  }

</sc_bundles>
